<compile_context>
chip_gen: v7x
topology: tpu7x:2x2x1
jax: 0.10.2.dev20260603
libtpu: 0.0.44.dev20260713+nightly
codegen_flags: <defaults>
</compile_context>

<pallas_src>
import functools

import jax
import jax.numpy as jnp
from jax import lax
from jax.experimental import pallas as pl
from jax.experimental.pallas import tpu as pltpu
from jax.experimental.pallas import tpu_sc as plsc

VOCAB = 50368
HIDDEN = 768
EPS = 1e-05

N_TOKENS = 4 * 8192
NUM_CORES = 2
NUM_SUBCORES = 16
NUM_WORKERS = NUM_CORES * NUM_SUBCORES
PER_WORKER = N_TOKENS // NUM_WORKERS
CHUNK = 32
NBUF = 4
NUM_CHUNKS = PER_WORKER // CHUNK

ROW_BLK = 2048


def _gather_body(ids_hbm, table_hbm, out_hbm, idx_all, buf_v, *sems):
    gsems = sems[:NBUF]
    wsems = sems[NBUF:]
    wid = lax.axis_index("s") * NUM_CORES + lax.axis_index("c")
    base = wid * PER_WORKER

    pltpu.sync_copy(ids_hbm.at[pl.ds(base, PER_WORKER)], idx_all)

    def idx_slice(ci):
        return idx_all.at[pl.ds(pl.multiple_of(ci * CHUNK, CHUNK), CHUNK)]

    def out_slice(ci):
        return out_hbm.at[pl.ds(pl.multiple_of(base + ci * CHUNK, CHUNK), CHUNK)]

    def g_start(ci, b):
        pltpu.async_copy(table_hbm.at[idx_slice(ci)], buf_v.at[b], gsems[b])

    def g_wait(ci, b):
        pltpu.make_async_copy(table_hbm.at[idx_slice(ci)], buf_v.at[b],
                              gsems[b]).wait()

    def wb_start(ci, b):
        pltpu.async_copy(buf_v.at[b], out_slice(ci), wsems[b])

    def wb_wait(ci, b):
        pltpu.make_async_copy(buf_v.at[b], out_slice(ci), wsems[b]).wait()

    for c0 in range(NBUF - 1):
        g_start(c0, c0)

    def outer(g, carry):
        for b0 in range(NBUF):
            ci = g * NBUF + b0
            b = b0
            g_wait(ci, b)
            wb_start(ci, b)

            cj = ci + NBUF - 1
            bj = (b0 + NBUF - 1) % NBUF

            @pl.when(cj < NUM_CHUNKS)
            def _():
                @pl.when(ci >= 1)
                def _():
                    wb_wait(ci - 1, bj)
                g_start(cj, bj)
        return carry

    lax.fori_loop(0, NUM_CHUNKS // NBUF, outer, 0)

    for k in range(NBUF):
        ci = NUM_CHUNKS - NBUF + k
        wb_wait(ci, ci % NBUF)


_sc_gather = functools.partial(
    pl.kernel,
    mesh=plsc.VectorSubcoreMesh(core_axis_name="c", subcore_axis_name="s"),
    out_type=jax.ShapeDtypeStruct((N_TOKENS, HIDDEN), jnp.float32),
    scratch_types=[
        pltpu.VMEM((PER_WORKER,), jnp.int32),
        pltpu.VMEM((NBUF, CHUNK, HIDDEN), jnp.float32),
    ] + [pltpu.SemaphoreType.DMA] * (2 * NBUF),
    compiler_params=pltpu.CompilerParams(needs_layout_passes=False),
)(_gather_body)


def _ln_body(x_ref, w_ref, o_ref):
    x = x_ref[...]
    mean = jnp.mean(x, axis=1, keepdims=True)
    xc = x - mean
    var = jnp.mean(xc * xc, axis=1, keepdims=True)
    o_ref[...] = xc * lax.rsqrt(var + EPS) * w_ref[...]


_tc_layernorm = pl.pallas_call(
    _ln_body,
    grid=(N_TOKENS // ROW_BLK,),
    in_specs=[
        pl.BlockSpec((ROW_BLK, HIDDEN), lambda i: (i, 0)),
        pl.BlockSpec((1, HIDDEN), lambda i: (0, 0)),
    ],
    out_specs=pl.BlockSpec((ROW_BLK, HIDDEN), lambda i: (i, 0)),
    out_shape=jax.ShapeDtypeStruct((N_TOKENS, HIDDEN), jnp.float32),
    compiler_params=pltpu.CompilerParams(
        dimension_semantics=("arbitrary",)),
)


@jax.jit
def kernel(input_ids, tok_embeddings, norm_weight):
    ids = input_ids.reshape(-1).astype(jnp.int32)
    emb = _sc_gather(ids, tok_embeddings)
    out = _tc_layernorm(emb, norm_weight.reshape(1, HIDDEN))
    return out.reshape(input_ids.shape + (HIDDEN,))

# --- scband reference (transcript-rebuilt; emitter-appended) ---
"""Pipeline reference for scband-modern-bert-embeddings-47820165873959 (READ-ONLY COPY).

The authoritative reference and input builder live on the scoring server;
editing this copy changes nothing except your own understanding.
"""

import jax, jax.numpy as jnp
import numpy as np

VOCAB = 50368
HIDDEN = 768
EPS = 1e-05
PAD_IDX = 0


def setup_inputs(seed: int = 0) -> dict:
    key = jax.random.key(seed)
    k_ids, k_tab = jax.random.split(key)
    input_ids = jax.random.randint(k_ids, (4, 8192), 0, VOCAB, dtype=jnp.int64 if jax.config.jax_enable_x64 else jnp.int32)
    tok_embeddings = jax.random.normal(k_tab, (VOCAB, HIDDEN), dtype=jnp.float32) * 0.02
    # padding_idx row is zero-initialized in nn.Embedding
    tok_embeddings = tok_embeddings.at[PAD_IDX].set(0.0)
    norm_weight = jnp.ones((HIDDEN,), dtype=jnp.float32)
    return {"input_ids": input_ids, "tok_embeddings": tok_embeddings, "norm_weight": norm_weight}


def _layer_norm(x, weight, eps):
    mean = jnp.mean(x, axis=-1, keepdims=True)
    var = jnp.mean(jnp.square(x - mean), axis=-1, keepdims=True)
    xhat = (x - mean) / jnp.sqrt(var + eps)
    return xhat * weight  # norm_bias=False -> no bias term


def reference(input_ids, tok_embeddings, norm_weight):
    # embedding lookup (gather rows)
    emb = jnp.take(tok_embeddings, input_ids, axis=0)  # [B, S, H]
    out = _layer_norm(emb, norm_weight, EPS)
    # dropout p=0.0 -> identity
    return out

if __name__ == "__main__":
    import jax
    _d = setup_inputs()
    print(jax.jit(kernel)(*tuple(_d.values())))

</pallas_src>

<mosaic_0001>
#map = affine_map<(d0, d1) -> (0)>
#map1 = affine_map<(d0, d1) -> (0, 0)>
module attributes {stable_mosaic.version = 14 : i64} {
  func.func @_gather_body(%arg0: i32, %arg1: i32, %arg2: memref<32768xi32, #tpu.memory_space<hbm>>, %arg3: memref<50368x768xf32, #tpu.memory_space<hbm>>, %arg4: memref<32768x768xf32, #tpu.memory_space<hbm>>, %arg5: memref<1024xi32, #tpu.memory_space<vmem>>, %arg6: memref<4x32x768xf32, #tpu.memory_space<vmem>>, %arg7: memref<!tpu.dma_semaphore, #tpu.memory_space<semaphore_mem>>, %arg8: memref<!tpu.dma_semaphore, #tpu.memory_space<semaphore_mem>>, %arg9: memref<!tpu.dma_semaphore, #tpu.memory_space<semaphore_mem>>, %arg10: memref<!tpu.dma_semaphore, #tpu.memory_space<semaphore_mem>>, %arg11: memref<!tpu.dma_semaphore, #tpu.memory_space<semaphore_mem>>, %arg12: memref<!tpu.dma_semaphore, #tpu.memory_space<semaphore_mem>>, %arg13: memref<!tpu.dma_semaphore, #tpu.memory_space<semaphore_mem>>, %arg14: memref<!tpu.dma_semaphore, #tpu.memory_space<semaphore_mem>>) attributes {dimension_semantics = [#tpu.dimension_semantics<core_parallel>, #tpu.dimension_semantics<subcore_parallel>], iteration_bounds = array<i64: 2, 16>, scalar_prefetch = 0 : i64, scratch_operands = 10 : i64, tpu.core_type = #tpu.core_type<sc_vector_subcore>, window_params = [{transform_indices = #map}, {transform_indices = #map1}, {transform_indices = #map1}]} {
    %mul3A = arith.constant 2 : i32
    %mul3A_0 = arith.muli %arg1, %mul3A : i32
    %add3A = arith.addi %mul3A_0, %arg0 : i32
    %mul3A_1 = arith.constant 1024 : i32
    %mul3A_2 = arith.muli %add3A, %mul3A_1 : i32
    "tpu.region"() ({
      %run_scoped3A = tpu.sem_alloc : memref<!tpu.dma_semaphore, #tpu.memory_space<semaphore_mem>>
      %dma_start3A_102 = tpu.memref_slice %arg2[%mul3A_2] : memref<32768xi32, #tpu.memory_space<hbm>> -> memref<1024xi32, #tpu.memory_space<hbm>>
      %dma_start3A_103 = tpu.memref_slice %arg2[%mul3A_2] : memref<32768xi32, #tpu.memory_space<hbm>> -> memref<1024xi32, #tpu.memory_space<hbm>>
      tpu.enqueue_dma source(%dma_start3A_103 : memref<1024xi32, #tpu.memory_space<hbm>>) target(%arg5 : memref<1024xi32, #tpu.memory_space<vmem>>) target_semaphore(%run_scoped3A : memref<!tpu.dma_semaphore, #tpu.memory_space<semaphore_mem>>)
      %dma_wait3A_104 = tpu.memref_slice %arg2[%mul3A_2] : memref<32768xi32, #tpu.memory_space<hbm>> -> memref<1024xi32, #tpu.memory_space<hbm>>
      %dma_wait3A_105 = tpu.memref_slice %arg2[%mul3A_2] : memref<32768xi32, #tpu.memory_space<hbm>> -> memref<1024xi32, #tpu.memory_space<hbm>>
      tpu.wait_dma2 semaphore(%run_scoped3A : memref<!tpu.dma_semaphore, #tpu.memory_space<semaphore_mem>>) src(%dma_wait3A_105 : memref<1024xi32, #tpu.memory_space<hbm>>) dst(%arg5 : memref<1024xi32, #tpu.memory_space<vmem>>)
      tpu.yield
    }) : () -> ()
    %multiple_of3A = arith.constant 0 : i32
    %multiple_of3A_3 = tpu.assume_multiple %multiple_of3A, 32 : i32
    %dma_start3A = arith.constant 0 : i32
    %dma_start3A_4 = arith.constant 0 : i32
    %dma_start3A_5 = arith.constant 0 : i32
    %dma_start3A_6 = tpu.memref_slice %arg6[%dma_start3A, %dma_start3A_4, %dma_start3A_5] : memref<4x32x768xf32, #tpu.memory_space<vmem>> -> memref<1x32x768xf32, #tpu.memory_space<vmem>>
    %dma_start3A_7 = tpu.memref_squeeze %dma_start3A_6 : memref<1x32x768xf32, #tpu.memory_space<vmem>> -> memref<32x768xf32, #tpu.memory_space<vmem>>
    %dma_start3A_8 = tpu.memref_slice %arg5[%multiple_of3A_3] : memref<1024xi32, #tpu.memory_space<vmem>> -> memref<32xi32, #tpu.memory_space<vmem>>
    %dma_start3A_9 = arith.constant 0 : i32
    %dma_start3A_10 = arith.constant 0 : i32
    %dma_start3A_11 = tpu.memref_slice %arg3[%dma_start3A_9, %dma_start3A_10] : memref<50368x768xf32, #tpu.memory_space<hbm>> -> memref<50368x768xf32, #tpu.memory_space<hbm>>
    tpu.enqueue_indirect_dma source(%dma_start3A_11 : memref<50368x768xf32, #tpu.memory_space<hbm>>) target(%dma_start3A_7 : memref<32x768xf32, #tpu.memory_space<vmem>>) offsets(%dma_start3A_8 : memref<32xi32, #tpu.memory_space<vmem>>) semaphore(%arg7 : memref<!tpu.dma_semaphore, #tpu.memory_space<semaphore_mem>>)
    %multiple_of3A_12 = arith.constant 32 : i32
    %multiple_of3A_13 = tpu.assume_multiple %multiple_of3A_12, 32 : i32
    %dma_start3A_14 = arith.constant 1 : i32
    %dma_start3A_15 = arith.constant 0 : i32
    %dma_start3A_16 = arith.constant 0 : i32
    %dma_start3A_17 = tpu.memref_slice %arg6[%dma_start3A_14, %dma_start3A_15, %dma_start3A_16] : memref<4x32x768xf32, #tpu.memory_space<vmem>> -> memref<1x32x768xf32, #tpu.memory_space<vmem>>
    %dma_start3A_18 = tpu.memref_squeeze %dma_start3A_17 : memref<1x32x768xf32, #tpu.memory_space<vmem>> -> memref<32x768xf32, #tpu.memory_space<vmem>>
    %dma_start3A_19 = tpu.memref_slice %arg5[%multiple_of3A_13] : memref<1024xi32, #tpu.memory_space<vmem>> -> memref<32xi32, #tpu.memory_space<vmem>>
    %dma_start3A_20 = arith.constant 0 : i32
    %dma_start3A_21 = arith.constant 0 : i32
    %dma_start3A_22 = tpu.memref_slice %arg3[%dma_start3A_20, %dma_start3A_21] : memref<50368x768xf32, #tpu.memory_space<hbm>> -> memref<50368x768xf32, #tpu.memory_space<hbm>>
    tpu.enqueue_indirect_dma source(%dma_start3A_22 : memref<50368x768xf32, #tpu.memory_space<hbm>>) target(%dma_start3A_18 : memref<32x768xf32, #tpu.memory_space<vmem>>) offsets(%dma_start3A_19 : memref<32xi32, #tpu.memory_space<vmem>>) semaphore(%arg8 : memref<!tpu.dma_semaphore, #tpu.memory_space<semaphore_mem>>)
    %multiple_of3A_23 = arith.constant 64 : i32
    %multiple_of3A_24 = tpu.assume_multiple %multiple_of3A_23, 32 : i32
    %dma_start3A_25 = arith.constant 2 : i32
    %dma_start3A_26 = arith.constant 0 : i32
    %dma_start3A_27 = arith.constant 0 : i32
    %dma_start3A_28 = tpu.memref_slice %arg6[%dma_start3A_25, %dma_start3A_26, %dma_start3A_27] : memref<4x32x768xf32, #tpu.memory_space<vmem>> -> memref<1x32x768xf32, #tpu.memory_space<vmem>>
    %dma_start3A_29 = tpu.memref_squeeze %dma_start3A_28 : memref<1x32x768xf32, #tpu.memory_space<vmem>> -> memref<32x768xf32, #tpu.memory_space<vmem>>
    %dma_start3A_30 = tpu.memref_slice %arg5[%multiple_of3A_24] : memref<1024xi32, #tpu.memory_space<vmem>> -> memref<32xi32, #tpu.memory_space<vmem>>
    %dma_start3A_31 = arith.constant 0 : i32
    %dma_start3A_32 = arith.constant 0 : i32
    %dma_start3A_33 = tpu.memref_slice %arg3[%dma_start3A_31, %dma_start3A_32] : memref<50368x768xf32, #tpu.memory_space<hbm>> -> memref<50368x768xf32, #tpu.memory_space<hbm>>
    tpu.enqueue_indirect_dma source(%dma_start3A_33 : memref<50368x768xf32, #tpu.memory_space<hbm>>) target(%dma_start3A_29 : memref<32x768xf32, #tpu.memory_space<vmem>>) offsets(%dma_start3A_30 : memref<32xi32, #tpu.memory_space<vmem>>) semaphore(%arg9 : memref<!tpu.dma_semaphore, #tpu.memory_space<semaphore_mem>>)
    %scan3A = arith.constant 0 : i32
    %scan3A_34 = arith.constant 0 : i32
    %scan3A_35 = arith.constant 8 : i32
    %scan3A_36 = arith.addi %scan3A_34, %scan3A_35 : i32
    %scan3A_37 = arith.constant 1 : i32
    scf.for %scan3A_102 = %scan3A_34 to %scan3A_36 step %scan3A_37  : i32 {
      %mul3A_103 = arith.constant 4 : i32
      %mul3A_104 = arith.muli %scan3A_102, %mul3A_103 : i32
      %add3A_105 = arith.constant 0 : i32
      %add3A_106 = arith.addi %mul3A_104, %add3A_105 : i32
      %mul3A_107 = arith.constant 32 : i32
      %mul3A_108 = arith.muli %add3A_106, %mul3A_107 : i32
      %multiple_of3A_109 = tpu.assume_multiple %mul3A_108, 32 : i32
      %dma_wait3A_110 = arith.constant 0 : i32
      %dma_wait3A_111 = arith.constant 0 : i32
      %dma_wait3A_112 = arith.constant 0 : i32
      %dma_wait3A_113 = tpu.memref_slice %arg6[%dma_wait3A_110, %dma_wait3A_111, %dma_wait3A_112] : memref<4x32x768xf32, #tpu.memory_space<vmem>> -> memref<1x32x768xf32, #tpu.memory_space<vmem>>
      %dma_wait3A_114 = tpu.memref_squeeze %dma_wait3A_113 : memref<1x32x768xf32, #tpu.memory_space<vmem>> -> memref<32x768xf32, #tpu.memory_space<vmem>>
      %dma_wait3A_115 = tpu.memref_slice %arg5[%multiple_of3A_109] : memref<1024xi32, #tpu.memory_space<vmem>> -> memref<32xi32, #tpu.memory_space<vmem>>
      %dma_wait3A_116 = arith.constant 0 : i32
      %dma_wait3A_117 = arith.constant 0 : i32
      %dma_wait3A_118 = tpu.memref_slice %arg3[%dma_wait3A_116, %dma_wait3A_117] : memref<50368x768xf32, #tpu.memory_space<hbm>> -> memref<50368x768xf32, #tpu.memory_space<hbm>>
      tpu.wait_indirect_dma semaphore(%arg7 : memref<!tpu.dma_semaphore, #tpu.memory_space<semaphore_mem>>) src(%dma_wait3A_118 : memref<50368x768xf32, #tpu.memory_space<hbm>>) dst(%dma_wait3A_114 : memref<32x768xf32, #tpu.memory_space<vmem>>)
      %mul3A_119 = arith.constant 32 : i32
      %mul3A_120 = arith.muli %add3A_106, %mul3A_119 : i32
      %add3A_121 = arith.addi %mul3A_2, %mul3A_120 : i32
      %multiple_of3A_122 = tpu.assume_multiple %add3A_121, 32 : i32
      %dma_start3A_123 = arith.constant 0 : i32
      %dma_start3A_124 = arith.constant 0 : i32
      %dma_start3A_125 = arith.constant 0 : i32
      %dma_start3A_126 = tpu.memref_slice %arg6[%dma_start3A_123, %dma_start3A_124, %dma_start3A_125] : memref<4x32x768xf32, #tpu.memory_space<vmem>> -> memref<1x32x768xf32, #tpu.memory_space<vmem>>
      %dma_start3A_127 = tpu.memref_squeeze %dma_start3A_126 : memref<1x32x768xf32, #tpu.memory_space<vmem>> -> memref<32x768xf32, #tpu.memory_space<vmem>>
      %dma_start3A_128 = arith.constant 0 : i32
      %dma_start3A_129 = tpu.memref_slice %arg4[%multiple_of3A_122, %dma_start3A_128] : memref<32768x768xf32, #tpu.memory_space<hbm>> -> memref<32x768xf32, #tpu.memory_space<hbm>>
      %dma_start3A_130 = arith.constant 0 : i32
      %dma_start3A_131 = tpu.memref_slice %arg4[%multiple_of3A_122, %dma_start3A_130] : memref<32768x768xf32, #tpu.memory_space<hbm>> -> memref<32x768xf32, #tpu.memory_space<hbm>>
      %dma_start3A_132 = arith.constant 0 : i32
      %dma_start3A_133 = arith.constant 0 : i32
      %dma_start3A_134 = tpu.memref_slice %arg6[%dma_start3A_123, %dma_start3A_132, %dma_start3A_133] : memref<4x32x768xf32, #tpu.memory_space<vmem>> -> memref<1x32x768xf32, #tpu.memory_space<vmem>>
      %dma_start3A_135 = tpu.memref_squeeze %dma_start3A_134 : memref<1x32x768xf32, #tpu.memory_space<vmem>> -> memref<32x768xf32, #tpu.memory_space<vmem>>
      tpu.enqueue_dma source(%dma_start3A_135 : memref<32x768xf32, #tpu.memory_space<vmem>>) target(%dma_start3A_131 : memref<32x768xf32, #tpu.memory_space<hbm>>) target_semaphore(%arg11 : memref<!tpu.dma_semaphore, #tpu.memory_space<semaphore_mem>>)
      %add3A_136 = arith.constant 4 : i32
      %add3A_137 = arith.addi %add3A_106, %add3A_136 : i32
      %sub3A = arith.constant 1 : i32
      %sub3A_138 = arith.subi %add3A_137, %sub3A : i32
      %lt3A = arith.constant 32 : i32
      %lt3A_139 = arith.cmpi slt, %sub3A_138, %lt3A : i32
      %convert_element_type3A = arith.extui %lt3A_139 : i1 to i32
      %cond3A = arith.constant 0 : i32
      %cond3A_140 = arith.cmpi ne, %convert_element_type3A, %cond3A : i32
      scf.if %cond3A_140 {
        %ge3A = arith.constant 1 : i32
        %ge3A_267 = arith.cmpi sge, %add3A_106, %ge3A : i32
        %convert_element_type3A_268 = arith.extui %ge3A_267 : i1 to i32
        %cond3A_269 = arith.constant 0 : i32
        %cond3A_270 = arith.cmpi ne, %convert_element_type3A_268, %cond3A_269 : i32
        scf.if %cond3A_270 {
          %sub3A_283 = arith.constant 1 : i32
          %sub3A_284 = arith.subi %add3A_106, %sub3A_283 : i32
          %mul3A_285 = arith.constant 32 : i32
          %mul3A_286 = arith.muli %sub3A_284, %mul3A_285 : i32
          %add3A_287 = arith.addi %mul3A_2, %mul3A_286 : i32
          %multiple_of3A_288 = tpu.assume_multiple %add3A_287, 32 : i32
          %dma_wait3A_289 = arith.constant 3 : i32
          %dma_wait3A_290 = arith.constant 0 : i32
          %dma_wait3A_291 = arith.constant 0 : i32
          %dma_wait3A_292 = tpu.memref_slice %arg6[%dma_wait3A_289, %dma_wait3A_290, %dma_wait3A_291] : memref<4x32x768xf32, #tpu.memory_space<vmem>> -> memref<1x32x768xf32, #tpu.memory_space<vmem>>
          %dma_wait3A_293 = tpu.memref_squeeze %dma_wait3A_292 : memref<1x32x768xf32, #tpu.memory_space<vmem>> -> memref<32x768xf32, #tpu.memory_space<vmem>>
          %dma_wait3A_294 = arith.constant 0 : i32
          %dma_wait3A_295 = tpu.memref_slice %arg4[%multiple_of3A_288, %dma_wait3A_294] : memref<32768x768xf32, #tpu.memory_space<hbm>> -> memref<32x768xf32, #tpu.memory_space<hbm>>
          %dma_wait3A_296 = arith.constant 0 : i32
          %dma_wait3A_297 = tpu.memref_slice %arg4[%multiple_of3A_288, %dma_wait3A_296] : memref<32768x768xf32, #tpu.memory_space<hbm>> -> memref<32x768xf32, #tpu.memory_space<hbm>>
          %dma_wait3A_298 = arith.constant 0 : i32
          %dma_wait3A_299 = arith.constant 0 : i32
          %dma_wait3A_300 = tpu.memref_slice %arg6[%dma_wait3A_289, %dma_wait3A_298, %dma_wait3A_299] : memref<4x32x768xf32, #tpu.memory_space<vmem>> -> memref<1x32x768xf32, #tpu.memory_space<vmem>>
          %dma_wait3A_301 = tpu.memref_squeeze %dma_wait3A_300 : memref<1x32x768xf32, #tpu.memory_space<vmem>> -> memref<32x768xf32, #tpu.memory_space<vmem>>
          tpu.wait_dma2 semaphore(%arg14 : memref<!tpu.dma_semaphore, #tpu.memory_space<semaphore_mem>>) src(%dma_wait3A_301 : memref<32x768xf32, #tpu.memory_space<vmem>>) dst(%dma_wait3A_297 : memref<32x768xf32, #tpu.memory_space<hbm>>)
        } else {
        }
        %mul3A_271 = arith.constant 32 : i32
        %mul3A_272 = arith.muli %sub3A_138, %mul3A_271 : i32
        %multiple_of3A_273 = tpu.assume_multiple %mul3A_272, 32 : i32
        %dma_start3A_274 = arith.constant 3 : i32
        %dma_start3A_275 = arith.constant 0 : i32
        %dma_start3A_276 = arith.constant 0 : i32
        %dma_start3A_277 = tpu.memref_slice %arg6[%dma_start3A_274, %dma_start3A_275, %dma_start3A_276] : memref<4x32x768xf32, #tpu.memory_space<vmem>> -> memref<1x32x768xf32, #tpu.memory_space<vmem>>
        %dma_start3A_278 = tpu.memref_squeeze %dma_start3A_277 : memref<1x32x768xf32, #tpu.memory_space<vmem>> -> memref<32x768xf32, #tpu.memory_space<vmem>>
        %dma_start3A_279 = tpu.memref_slice %arg5[%multiple_of3A_273] : memref<1024xi32, #tpu.memory_space<vmem>> -> memref<32xi32, #tpu.memory_space<vmem>>
        %dma_start3A_280 = arith.constant 0 : i32
        %dma_start3A_281 = arith.constant 0 : i32
        %dma_start3A_282 = tpu.memref_slice %arg3[%dma_start3A_280, %dma_start3A_281] : memref<50368x768xf32, #tpu.memory_space<hbm>> -> memref<50368x768xf32, #tpu.memory_space<hbm>>
        tpu.enqueue_indirect_dma source(%dma_start3A_282 : memref<50368x768xf32, #tpu.memory_space<hbm>>) target(%dma_start3A_278 : memref<32x768xf32, #tpu.memory_space<vmem>>) offsets(%dma_start3A_279 : memref<32xi32, #tpu.memory_space<vmem>>) semaphore(%arg10 : memref<!tpu.dma_semaphore, #tpu.memory_space<semaphore_mem>>)
      } else {
      }
      %mul3A_141 = arith.constant 4 : i32
      %mul3A_142 = arith.muli %scan3A_102, %mul3A_141 : i32
      %add3A_143 = arith.constant 1 : i32
      %add3A_144 = arith.addi %mul3A_142, %add3A_143 : i32
      %mul3A_145 = arith.constant 32 : i32
      %mul3A_146 = arith.muli %add3A_144, %mul3A_145 : i32
      %multiple_of3A_147 = tpu.assume_multiple %mul3A_146, 32 : i32
      %dma_wait3A_148 = arith.constant 1 : i32
      %dma_wait3A_149 = arith.constant 0 : i32
      %dma_wait3A_150 = arith.constant 0 : i32
      %dma_wait3A_151 = tpu.memref_slice %arg6[%dma_wait3A_148, %dma_wait3A_149, %dma_wait3A_150] : memref<4x32x768xf32, #tpu.memory_space<vmem>> -> memref<1x32x768xf32, #tpu.memory_space<vmem>>
      %dma_wait3A_152 = tpu.memref_squeeze %dma_wait3A_151 : memref<1x32x768xf32, #tpu.memory_space<vmem>> -> memref<32x768xf32, #tpu.memory_space<vmem>>
      %dma_wait3A_153 = tpu.memref_slice %arg5[%multiple_of3A_147] : memref<1024xi32, #tpu.memory_space<vmem>> -> memref<32xi32, #tpu.memory_space<vmem>>
      %dma_wait3A_154 = arith.constant 0 : i32
      %dma_wait3A_155 = arith.constant 0 : i32
      %dma_wait3A_156 = tpu.memref_slice %arg3[%dma_wait3A_154, %dma_wait3A_155] : memref<50368x768xf32, #tpu.memory_space<hbm>> -> memref<50368x768xf32, #tpu.memory_space<hbm>>
      tpu.wait_indirect_dma semaphore(%arg8 : memref<!tpu.dma_semaphore, #tpu.memory_space<semaphore_mem>>) src(%dma_wait3A_156 : memref<50368x768xf32, #tpu.memory_space<hbm>>) dst(%dma_wait3A_152 : memref<32x768xf32, #tpu.memory_space<vmem>>)
      %mul3A_157 = arith.constant 32 : i32
      %mul3A_158 = arith.muli %add3A_144, %mul3A_157 : i32
      %add3A_159 = arith.addi %mul3A_2, %mul3A_158 : i32
      %multiple_of3A_160 = tpu.assume_multiple %add3A_159, 32 : i32
      %dma_start3A_161 = arith.constant 1 : i32
      %dma_start3A_162 = arith.constant 0 : i32
      %dma_start3A_163 = arith.constant 0 : i32
      %dma_start3A_164 = tpu.memref_slice %arg6[%dma_start3A_161, %dma_start3A_162, %dma_start3A_163] : memref<4x32x768xf32, #tpu.memory_space<vmem>> -> memref<1x32x768xf32, #tpu.memory_space<vmem>>
      %dma_start3A_165 = tpu.memref_squeeze %dma_start3A_164 : memref<1x32x768xf32, #tpu.memory_space<vmem>> -> memref<32x768xf32, #tpu.memory_space<vmem>>
      %dma_start3A_166 = arith.constant 0 : i32
      %dma_start3A_167 = tpu.memref_slice %arg4[%multiple_of3A_160, %dma_start3A_166] : memref<32768x768xf32, #tpu.memory_space<hbm>> -> memref<32x768xf32, #tpu.memory_space<hbm>>
      %dma_start3A_168 = arith.constant 0 : i32
      %dma_start3A_169 = tpu.memref_slice %arg4[%multiple_of3A_160, %dma_start3A_168] : memref<32768x768xf32, #tpu.memory_space<hbm>> -> memref<32x768xf32, #tpu.memory_space<hbm>>
      %dma_start3A_170 = arith.constant 0 : i32
      %dma_start3A_171 = arith.constant 0 : i32
      %dma_start3A_172 = tpu.memref_slice %arg6[%dma_start3A_161, %dma_start3A_170, %dma_start3A_171] : memref<4x32x768xf32, #tpu.memory_space<vmem>> -> memref<1x32x768xf32, #tpu.memory_space<vmem>>
      %dma_start3A_173 = tpu.memref_squeeze %dma_start3A_172 : memref<1x32x768xf32, #tpu.memory_space<vmem>> -> memref<32x768xf32, #tpu.memory_space<vmem>>
      tpu.enqueue_dma source(%dma_start3A_173 : memref<32x768xf32, #tpu.memory_space<vmem>>) target(%dma_start3A_169 : memref<32x768xf32, #tpu.memory_space<hbm>>) target_semaphore(%arg12 : memref<!tpu.dma_semaphore, #tpu.memory_space<semaphore_mem>>)
      %add3A_174 = arith.constant 4 : i32
      %add3A_175 = arith.addi %add3A_144, %add3A_174 : i32
      %sub3A_176 = arith.constant 1 : i32
      %sub3A_177 = arith.subi %add3A_175, %sub3A_176 : i32
      %lt3A_178 = arith.constant 32 : i32
      %lt3A_179 = arith.cmpi slt, %sub3A_177, %lt3A_178 : i32
      %convert_element_type3A_180 = arith.extui %lt3A_179 : i1 to i32
      %cond3A_181 = arith.constant 0 : i32
      %cond3A_182 = arith.cmpi ne, %convert_element_type3A_180, %cond3A_181 : i32
      scf.if %cond3A_182 {
        %ge3A = arith.constant 1 : i32
        %ge3A_267 = arith.cmpi sge, %add3A_144, %ge3A : i32
        %convert_element_type3A_268 = arith.extui %ge3A_267 : i1 to i32
        %cond3A_269 = arith.constant 0 : i32
        %cond3A_270 = arith.cmpi ne, %convert_element_type3A_268, %cond3A_269 : i32
        scf.if %cond3A_270 {
          %sub3A_283 = arith.constant 1 : i32
          %sub3A_284 = arith.subi %add3A_144, %sub3A_283 : i32
          %mul3A_285 = arith.constant 32 : i32
          %mul3A_286 = arith.muli %sub3A_284, %mul3A_285 : i32
          %add3A_287 = arith.addi %mul3A_2, %mul3A_286 : i32
          %multiple_of3A_288 = tpu.assume_multiple %add3A_287, 32 : i32
          %dma_wait3A_289 = arith.constant 0 : i32
          %dma_wait3A_290 = arith.constant 0 : i32
          %dma_wait3A_291 = arith.constant 0 : i32
          %dma_wait3A_292 = tpu.memref_slice %arg6[%dma_wait3A_289, %dma_wait3A_290, %dma_wait3A_291] : memref<4x32x768xf32, #tpu.memory_space<vmem>> -> memref<1x32x768xf32, #tpu.memory_space<vmem>>
          %dma_wait3A_293 = tpu.memref_squeeze %dma_wait3A_292 : memref<1x32x768xf32, #tpu.memory_space<vmem>> -> memref<32x768xf32, #tpu.memory_space<vmem>>
          %dma_wait3A_294 = arith.constant 0 : i32
          %dma_wait3A_295 = tpu.memref_slice %arg4[%multiple_of3A_288, %dma_wait3A_294] : memref<32768x768xf32, #tpu.memory_space<hbm>> -> memref<32x768xf32, #tpu.memory_space<hbm>>
          %dma_wait3A_296 = arith.constant 0 : i32
          %dma_wait3A_297 = tpu.memref_slice %arg4[%multiple_of3A_288, %dma_wait3A_296] : memref<32768x768xf32, #tpu.memory_space<hbm>> -> memref<32x768xf32, #tpu.memory_space<hbm>>
          %dma_wait3A_298 = arith.constant 0 : i32
          %dma_wait3A_299 = arith.constant 0 : i32
          %dma_wait3A_300 = tpu.memref_slice %arg6[%dma_wait3A_289, %dma_wait3A_298, %dma_wait3A_299] : memref<4x32x768xf32, #tpu.memory_space<vmem>> -> memref<1x32x768xf32, #tpu.memory_space<vmem>>
          %dma_wait3A_301 = tpu.memref_squeeze %dma_wait3A_300 : memref<1x32x768xf32, #tpu.memory_space<vmem>> -> memref<32x768xf32, #tpu.memory_space<vmem>>
          tpu.wait_dma2 semaphore(%arg11 : memref<!tpu.dma_semaphore, #tpu.memory_space<semaphore_mem>>) src(%dma_wait3A_301 : memref<32x768xf32, #tpu.memory_space<vmem>>) dst(%dma_wait3A_297 : memref<32x768xf32, #tpu.memory_space<hbm>>)
        } else {
        }
        %mul3A_271 = arith.constant 32 : i32
        %mul3A_272 = arith.muli %sub3A_177, %mul3A_271 : i32
        %multiple_of3A_273 = tpu.assume_multiple %mul3A_272, 32 : i32
        %dma_start3A_274 = arith.constant 0 : i32
        %dma_start3A_275 = arith.constant 0 : i32
        %dma_start3A_276 = arith.constant 0 : i32
        %dma_start3A_277 = tpu.memref_slice %arg6[%dma_start3A_274, %dma_start3A_275, %dma_start3A_276] : memref<4x32x768xf32, #tpu.memory_space<vmem>> -> memref<1x32x768xf32, #tpu.memory_space<vmem>>
        %dma_start3A_278 = tpu.memref_squeeze %dma_start3A_277 : memref<1x32x768xf32, #tpu.memory_space<vmem>> -> memref<32x768xf32, #tpu.memory_space<vmem>>
        %dma_start3A_279 = tpu.memref_slice %arg5[%multiple_of3A_273] : memref<1024xi32, #tpu.memory_space<vmem>> -> memref<32xi32, #tpu.memory_space<vmem>>
        %dma_start3A_280 = arith.constant 0 : i32
        %dma_start3A_281 = arith.constant 0 : i32
        %dma_start3A_282 = tpu.memref_slice %arg3[%dma_start3A_280, %dma_start3A_281] : memref<50368x768xf32, #tpu.memory_space<hbm>> -> memref<50368x768xf32, #tpu.memory_space<hbm>>
        tpu.enqueue_indirect_dma source(%dma_start3A_282 : memref<50368x768xf32, #tpu.memory_space<hbm>>) target(%dma_start3A_278 : memref<32x768xf32, #tpu.memory_space<vmem>>) offsets(%dma_start3A_279 : memref<32xi32, #tpu.memory_space<vmem>>) semaphore(%arg7 : memref<!tpu.dma_semaphore, #tpu.memory_space<semaphore_mem>>)
      } else {
      }
      %mul3A_183 = arith.constant 4 : i32
      %mul3A_184 = arith.muli %scan3A_102, %mul3A_183 : i32
      %add3A_185 = arith.constant 2 : i32
      %add3A_186 = arith.addi %mul3A_184, %add3A_185 : i32
      %mul3A_187 = arith.constant 32 : i32
      %mul3A_188 = arith.muli %add3A_186, %mul3A_187 : i32
      %multiple_of3A_189 = tpu.assume_multiple %mul3A_188, 32 : i32
      %dma_wait3A_190 = arith.constant 2 : i32
      %dma_wait3A_191 = arith.constant 0 : i32
      %dma_wait3A_192 = arith.constant 0 : i32
      %dma_wait3A_193 = tpu.memref_slice %arg6[%dma_wait3A_190, %dma_wait3A_191, %dma_wait3A_192] : memref<4x32x768xf32, #tpu.memory_space<vmem>> -> memref<1x32x768xf32, #tpu.memory_space<vmem>>
      %dma_wait3A_194 = tpu.memref_squeeze %dma_wait3A_193 : memref<1x32x768xf32, #tpu.memory_space<vmem>> -> memref<32x768xf32, #tpu.memory_space<vmem>>
      %dma_wait3A_195 = tpu.memref_slice %arg5[%multiple_of3A_189] : memref<1024xi32, #tpu.memory_space<vmem>> -> memref<32xi32, #tpu.memory_space<vmem>>
      %dma_wait3A_196 = arith.constant 0 : i32
      %dma_wait3A_197 = arith.constant 0 : i32
      %dma_wait3A_198 = tpu.memref_slice %arg3[%dma_wait3A_196, %dma_wait3A_197] : memref<50368x768xf32, #tpu.memory_space<hbm>> -> memref<50368x768xf32, #tpu.memory_space<hbm>>
      tpu.wait_indirect_dma semaphore(%arg9 : memref<!tpu.dma_semaphore, #tpu.memory_space<semaphore_mem>>) src(%dma_wait3A_198 : memref<50368x768xf32, #tpu.memory_space<hbm>>) dst(%dma_wait3A_194 : memref<32x768xf32, #tpu.memory_space<vmem>>)
      %mul3A_199 = arith.constant 32 : i32
      %mul3A_200 = arith.muli %add3A_186, %mul3A_199 : i32
      %add3A_201 = arith.addi %mul3A_2, %mul3A_200 : i32
      %multiple_of3A_202 = tpu.assume_multiple %add3A_201, 32 : i32
      %dma_start3A_203 = arith.constant 2 : i32
      %dma_start3A_204 = arith.constant 0 : i32
      %dma_start3A_205 = arith.constant 0 : i32
      %dma_start3A_206 = tpu.memref_slice %arg6[%dma_start3A_203, %dma_start3A_204, %dma_start3A_205] : memref<4x32x768xf32, #tpu.memory_space<vmem>> -> memref<1x32x768xf32, #tpu.memory_space<vmem>>
      %dma_start3A_207 = tpu.memref_squeeze %dma_start3A_206 : memref<1x32x768xf32, #tpu.memory_space<vmem>> -> memref<32x768xf32, #tpu.memory_space<vmem>>
      %dma_start3A_208 = arith.constant 0 : i32
      %dma_start3A_209 = tpu.memref_slice %arg4[%multiple_of3A_202, %dma_start3A_208] : memref<32768x768xf32, #tpu.memory_space<hbm>> -> memref<32x768xf32, #tpu.memory_space<hbm>>
      %dma_start3A_210 = arith.constant 0 : i32
      %dma_start3A_211 = tpu.memref_slice %arg4[%multiple_of3A_202, %dma_start3A_210] : memref<32768x768xf32, #tpu.memory_space<hbm>> -> memref<32x768xf32, #tpu.memory_space<hbm>>
      %dma_start3A_212 = arith.constant 0 : i32
      %dma_start3A_213 = arith.constant 0 : i32
      %dma_start3A_214 = tpu.memref_slice %arg6[%dma_start3A_203, %dma_start3A_212, %dma_start3A_213] : memref<4x32x768xf32, #tpu.memory_space<vmem>> -> memref<1x32x768xf32, #tpu.memory_space<vmem>>
      %dma_start3A_215 = tpu.memref_squeeze %dma_start3A_214 : memref<1x32x768xf32, #tpu.memory_space<vmem>> -> memref<32x768xf32, #tpu.memory_space<vmem>>
      tpu.enqueue_dma source(%dma_start3A_215 : memref<32x768xf32, #tpu.memory_space<vmem>>) target(%dma_start3A_211 : memref<32x768xf32, #tpu.memory_space<hbm>>) target_semaphore(%arg13 : memref<!tpu.dma_semaphore, #tpu.memory_space<semaphore_mem>>)
      %add3A_216 = arith.constant 4 : i32
      %add3A_217 = arith.addi %add3A_186, %add3A_216 : i32
      %sub3A_218 = arith.constant 1 : i32
      %sub3A_219 = arith.subi %add3A_217, %sub3A_218 : i32
      %lt3A_220 = arith.constant 32 : i32
      %lt3A_221 = arith.cmpi slt, %sub3A_219, %lt3A_220 : i32
      %convert_element_type3A_222 = arith.extui %lt3A_221 : i1 to i32
      %cond3A_223 = arith.constant 0 : i32
      %cond3A_224 = arith.cmpi ne, %convert_element_type3A_222, %cond3A_223 : i32
      scf.if %cond3A_224 {
        %ge3A = arith.constant 1 : i32
        %ge3A_267 = arith.cmpi sge, %add3A_186, %ge3A : i32
        %convert_element_type3A_268 = arith.extui %ge3A_267 : i1 to i32
        %cond3A_269 = arith.constant 0 : i32
        %cond3A_270 = arith.cmpi ne, %convert_element_type3A_268, %cond3A_269 : i32
        scf.if %cond3A_270 {
          %sub3A_283 = arith.constant 1 : i32
          %sub3A_284 = arith.subi %add3A_186, %sub3A_283 : i32
          %mul3A_285 = arith.constant 32 : i32
          %mul3A_286 = arith.muli %sub3A_284, %mul3A_285 : i32
          %add3A_287 = arith.addi %mul3A_2, %mul3A_286 : i32
          %multiple_of3A_288 = tpu.assume_multiple %add3A_287, 32 : i32
          %dma_wait3A_289 = arith.constant 1 : i32
          %dma_wait3A_290 = arith.constant 0 : i32
          %dma_wait3A_291 = arith.constant 0 : i32
          %dma_wait3A_292 = tpu.memref_slice %arg6[%dma_wait3A_289, %dma_wait3A_290, %dma_wait3A_291] : memref<4x32x768xf32, #tpu.memory_space<vmem>> -> memref<1x32x768xf32, #tpu.memory_space<vmem>>
          %dma_wait3A_293 = tpu.memref_squeeze %dma_wait3A_292 : memref<1x32x768xf32, #tpu.memory_space<vmem>> -> memref<32x768xf32, #tpu.memory_space<vmem>>
          %dma_wait3A_294 = arith.constant 0 : i32
          %dma_wait3A_295 = tpu.memref_slice %arg4[%multiple_of3A_288, %dma_wait3A_294] : memref<32768x768xf32, #tpu.memory_space<hbm>> -> memref<32x768xf32, #tpu.memory_space<hbm>>
          %dma_wait3A_296 = arith.constant 0 : i32
          %dma_wait3A_297 = tpu.memref_slice %arg4[%multiple_of3A_288, %dma_wait3A_296] : memref<32768x768xf32, #tpu.memory_space<hbm>> -> memref<32x768xf32, #tpu.memory_space<hbm>>
          %dma_wait3A_298 = arith.constant 0 : i32
          %dma_wait3A_299 = arith.constant 0 : i32
          %dma_wait3A_300 = tpu.memref_slice %arg6[%dma_wait3A_289, %dma_wait3A_298, %dma_wait3A_299] : memref<4x32x768xf32, #tpu.memory_space<vmem>> -> memref<1x32x768xf32, #tpu.memory_space<vmem>>
          %dma_wait3A_301 = tpu.memref_squeeze %dma_wait3A_300 : memref<1x32x768xf32, #tpu.memory_space<vmem>> -> memref<32x768xf32, #tpu.memory_space<vmem>>
          tpu.wait_dma2 semaphore(%arg12 : memref<!tpu.dma_semaphore, #tpu.memory_space<semaphore_mem>>) src(%dma_wait3A_301 : memref<32x768xf32, #tpu.memory_space<vmem>>) dst(%dma_wait3A_297 : memref<32x768xf32, #tpu.memory_space<hbm>>)
        } else {
        }
        %mul3A_271 = arith.constant 32 : i32
        %mul3A_272 = arith.muli %sub3A_219, %mul3A_271 : i32
        %multiple_of3A_273 = tpu.assume_multiple %mul3A_272, 32 : i32
        %dma_start3A_274 = arith.constant 1 : i32
        %dma_start3A_275 = arith.constant 0 : i32
        %dma_start3A_276 = arith.constant 0 : i32
        %dma_start3A_277 = tpu.memref_slice %arg6[%dma_start3A_274, %dma_start3A_275, %dma_start3A_276] : memref<4x32x768xf32, #tpu.memory_space<vmem>> -> memref<1x32x768xf32, #tpu.memory_space<vmem>>
        %dma_start3A_278 = tpu.memref_squeeze %dma_start3A_277 : memref<1x32x768xf32, #tpu.memory_space<vmem>> -> memref<32x768xf32, #tpu.memory_space<vmem>>
        %dma_start3A_279 = tpu.memref_slice %arg5[%multiple_of3A_273] : memref<1024xi32, #tpu.memory_space<vmem>> -> memref<32xi32, #tpu.memory_space<vmem>>
        %dma_start3A_280 = arith.constant 0 : i32
        %dma_start3A_281 = arith.constant 0 : i32
        %dma_start3A_282 = tpu.memref_slice %arg3[%dma_start3A_280, %dma_start3A_281] : memref<50368x768xf32, #tpu.memory_space<hbm>> -> memref<50368x768xf32, #tpu.memory_space<hbm>>
        tpu.enqueue_indirect_dma source(%dma_start3A_282 : memref<50368x768xf32, #tpu.memory_space<hbm>>) target(%dma_start3A_278 : memref<32x768xf32, #tpu.memory_space<vmem>>) offsets(%dma_start3A_279 : memref<32xi32, #tpu.memory_space<vmem>>) semaphore(%arg8 : memref<!tpu.dma_semaphore, #tpu.memory_space<semaphore_mem>>)
      } else {
      }
      %mul3A_225 = arith.constant 4 : i32
      %mul3A_226 = arith.muli %scan3A_102, %mul3A_225 : i32
      %add3A_227 = arith.constant 3 : i32
      %add3A_228 = arith.addi %mul3A_226, %add3A_227 : i32
      %mul3A_229 = arith.constant 32 : i32
      %mul3A_230 = arith.muli %add3A_228, %mul3A_229 : i32
      %multiple_of3A_231 = tpu.assume_multiple %mul3A_230, 32 : i32
      %dma_wait3A_232 = arith.constant 3 : i32
      %dma_wait3A_233 = arith.constant 0 : i32
      %dma_wait3A_234 = arith.constant 0 : i32
      %dma_wait3A_235 = tpu.memref_slice %arg6[%dma_wait3A_232, %dma_wait3A_233, %dma_wait3A_234] : memref<4x32x768xf32, #tpu.memory_space<vmem>> -> memref<1x32x768xf32, #tpu.memory_space<vmem>>
      %dma_wait3A_236 = tpu.memref_squeeze %dma_wait3A_235 : memref<1x32x768xf32, #tpu.memory_space<vmem>> -> memref<32x768xf32, #tpu.memory_space<vmem>>
      %dma_wait3A_237 = tpu.memref_slice %arg5[%multiple_of3A_231] : memref<1024xi32, #tpu.memory_space<vmem>> -> memref<32xi32, #tpu.memory_space<vmem>>
      %dma_wait3A_238 = arith.constant 0 : i32
      %dma_wait3A_239 = arith.constant 0 : i32
      %dma_wait3A_240 = tpu.memref_slice %arg3[%dma_wait3A_238, %dma_wait3A_239] : memref<50368x768xf32, #tpu.memory_space<hbm>> -> memref<50368x768xf32, #tpu.memory_space<hbm>>
      tpu.wait_indirect_dma semaphore(%arg10 : memref<!tpu.dma_semaphore, #tpu.memory_space<semaphore_mem>>) src(%dma_wait3A_240 : memref<50368x768xf32, #tpu.memory_space<hbm>>) dst(%dma_wait3A_236 : memref<32x768xf32, #tpu.memory_space<vmem>>)
      %mul3A_241 = arith.constant 32 : i32
      %mul3A_242 = arith.muli %add3A_228, %mul3A_241 : i32
      %add3A_243 = arith.addi %mul3A_2, %mul3A_242 : i32
      %multiple_of3A_244 = tpu.assume_multiple %add3A_243, 32 : i32
      %dma_start3A_245 = arith.constant 3 : i32
      %dma_start3A_246 = arith.constant 0 : i32
      %dma_start3A_247 = arith.constant 0 : i32
      %dma_start3A_248 = tpu.memref_slice %arg6[%dma_start3A_245, %dma_start3A_246, %dma_start3A_247] : memref<4x32x768xf32, #tpu.memory_space<vmem>> -> memref<1x32x768xf32, #tpu.memory_space<vmem>>
      %dma_start3A_249 = tpu.memref_squeeze %dma_start3A_248 : memref<1x32x768xf32, #tpu.memory_space<vmem>> -> memref<32x768xf32, #tpu.memory_space<vmem>>
      %dma_start3A_250 = arith.constant 0 : i32
      %dma_start3A_251 = tpu.memref_slice %arg4[%multiple_of3A_244, %dma_start3A_250] : memref<32768x768xf32, #tpu.memory_space<hbm>> -> memref<32x768xf32, #tpu.memory_space<hbm>>
      %dma_start3A_252 = arith.constant 0 : i32
      %dma_start3A_253 = tpu.memref_slice %arg4[%multiple_of3A_244, %dma_start3A_252] : memref<32768x768xf32, #tpu.memory_space<hbm>> -> memref<32x768xf32, #tpu.memory_space<hbm>>
      %dma_start3A_254 = arith.constant 0 : i32
      %dma_start3A_255 = arith.constant 0 : i32
      %dma_start3A_256 = tpu.memref_slice %arg6[%dma_start3A_245, %dma_start3A_254, %dma_start3A_255] : memref<4x32x768xf32, #tpu.memory_space<vmem>> -> memref<1x32x768xf32, #tpu.memory_space<vmem>>
      %dma_start3A_257 = tpu.memref_squeeze %dma_start3A_256 : memref<1x32x768xf32, #tpu.memory_space<vmem>> -> memref<32x768xf32, #tpu.memory_space<vmem>>
      tpu.enqueue_dma source(%dma_start3A_257 : memref<32x768xf32, #tpu.memory_space<vmem>>) target(%dma_start3A_253 : memref<32x768xf32, #tpu.memory_space<hbm>>) target_semaphore(%arg14 : memref<!tpu.dma_semaphore, #tpu.memory_space<semaphore_mem>>)
      %add3A_258 = arith.constant 4 : i32
      %add3A_259 = arith.addi %add3A_228, %add3A_258 : i32
      %sub3A_260 = arith.constant 1 : i32
      %sub3A_261 = arith.subi %add3A_259, %sub3A_260 : i32
      %lt3A_262 = arith.constant 32 : i32
      %lt3A_263 = arith.cmpi slt, %sub3A_261, %lt3A_262 : i32
      %convert_element_type3A_264 = arith.extui %lt3A_263 : i1 to i32
      %cond3A_265 = arith.constant 0 : i32
      %cond3A_266 = arith.cmpi ne, %convert_element_type3A_264, %cond3A_265 : i32
      scf.if %cond3A_266 {
        %ge3A = arith.constant 1 : i32
        %ge3A_267 = arith.cmpi sge, %add3A_228, %ge3A : i32
        %convert_element_type3A_268 = arith.extui %ge3A_267 : i1 to i32
        %cond3A_269 = arith.constant 0 : i32
        %cond3A_270 = arith.cmpi ne, %convert_element_type3A_268, %cond3A_269 : i32
        scf.if %cond3A_270 {
          %sub3A_283 = arith.constant 1 : i32
          %sub3A_284 = arith.subi %add3A_228, %sub3A_283 : i32
          %mul3A_285 = arith.constant 32 : i32
          %mul3A_286 = arith.muli %sub3A_284, %mul3A_285 : i32
          %add3A_287 = arith.addi %mul3A_2, %mul3A_286 : i32
          %multiple_of3A_288 = tpu.assume_multiple %add3A_287, 32 : i32
          %dma_wait3A_289 = arith.constant 2 : i32
          %dma_wait3A_290 = arith.constant 0 : i32
          %dma_wait3A_291 = arith.constant 0 : i32
          %dma_wait3A_292 = tpu.memref_slice %arg6[%dma_wait3A_289, %dma_wait3A_290, %dma_wait3A_291] : memref<4x32x768xf32, #tpu.memory_space<vmem>> -> memref<1x32x768xf32, #tpu.memory_space<vmem>>
          %dma_wait3A_293 = tpu.memref_squeeze %dma_wait3A_292 : memref<1x32x768xf32, #tpu.memory_space<vmem>> -> memref<32x768xf32, #tpu.memory_space<vmem>>
          %dma_wait3A_294 = arith.constant 0 : i32
          %dma_wait3A_295 = tpu.memref_slice %arg4[%multiple_of3A_288, %dma_wait3A_294] : memref<32768x768xf32, #tpu.memory_space<hbm>> -> memref<32x768xf32, #tpu.memory_space<hbm>>
          %dma_wait3A_296 = arith.constant 0 : i32
          %dma_wait3A_297 = tpu.memref_slice %arg4[%multiple_of3A_288, %dma_wait3A_296] : memref<32768x768xf32, #tpu.memory_space<hbm>> -> memref<32x768xf32, #tpu.memory_space<hbm>>
          %dma_wait3A_298 = arith.constant 0 : i32
          %dma_wait3A_299 = arith.constant 0 : i32
          %dma_wait3A_300 = tpu.memref_slice %arg6[%dma_wait3A_289, %dma_wait3A_298, %dma_wait3A_299] : memref<4x32x768xf32, #tpu.memory_space<vmem>> -> memref<1x32x768xf32, #tpu.memory_space<vmem>>
          %dma_wait3A_301 = tpu.memref_squeeze %dma_wait3A_300 : memref<1x32x768xf32, #tpu.memory_space<vmem>> -> memref<32x768xf32, #tpu.memory_space<vmem>>
          tpu.wait_dma2 semaphore(%arg13 : memref<!tpu.dma_semaphore, #tpu.memory_space<semaphore_mem>>) src(%dma_wait3A_301 : memref<32x768xf32, #tpu.memory_space<vmem>>) dst(%dma_wait3A_297 : memref<32x768xf32, #tpu.memory_space<hbm>>)
        } else {
        }
        %mul3A_271 = arith.constant 32 : i32
        %mul3A_272 = arith.muli %sub3A_261, %mul3A_271 : i32
        %multiple_of3A_273 = tpu.assume_multiple %mul3A_272, 32 : i32
        %dma_start3A_274 = arith.constant 2 : i32
        %dma_start3A_275 = arith.constant 0 : i32
        %dma_start3A_276 = arith.constant 0 : i32
        %dma_start3A_277 = tpu.memref_slice %arg6[%dma_start3A_274, %dma_start3A_275, %dma_start3A_276] : memref<4x32x768xf32, #tpu.memory_space<vmem>> -> memref<1x32x768xf32, #tpu.memory_space<vmem>>
        %dma_start3A_278 = tpu.memref_squeeze %dma_start3A_277 : memref<1x32x768xf32, #tpu.memory_space<vmem>> -> memref<32x768xf32, #tpu.memory_space<vmem>>
        %dma_start3A_279 = tpu.memref_slice %arg5[%multiple_of3A_273] : memref<1024xi32, #tpu.memory_space<vmem>> -> memref<32xi32, #tpu.memory_space<vmem>>
        %dma_start3A_280 = arith.constant 0 : i32
        %dma_start3A_281 = arith.constant 0 : i32
        %dma_start3A_282 = tpu.memref_slice %arg3[%dma_start3A_280, %dma_start3A_281] : memref<50368x768xf32, #tpu.memory_space<hbm>> -> memref<50368x768xf32, #tpu.memory_space<hbm>>
        tpu.enqueue_indirect_dma source(%dma_start3A_282 : memref<50368x768xf32, #tpu.memory_space<hbm>>) target(%dma_start3A_278 : memref<32x768xf32, #tpu.memory_space<vmem>>) offsets(%dma_start3A_279 : memref<32xi32, #tpu.memory_space<vmem>>) semaphore(%arg9 : memref<!tpu.dma_semaphore, #tpu.memory_space<semaphore_mem>>)
      } else {
      }
    }
    %scan3A_38 = arith.constant 8 : i32
    %add3A_39 = arith.constant 896 : i32
    %add3A_40 = arith.addi %mul3A_2, %add3A_39 : i32
    %multiple_of3A_41 = tpu.assume_multiple %add3A_40, 32 : i32
    %dma_wait3A = arith.constant 0 : i32
    %dma_wait3A_42 = arith.constant 0 : i32
    %dma_wait3A_43 = arith.constant 0 : i32
    %dma_wait3A_44 = tpu.memref_slice %arg6[%dma_wait3A, %dma_wait3A_42, %dma_wait3A_43] : memref<4x32x768xf32, #tpu.memory_space<vmem>> -> memref<1x32x768xf32, #tpu.memory_space<vmem>>
    %dma_wait3A_45 = tpu.memref_squeeze %dma_wait3A_44 : memref<1x32x768xf32, #tpu.memory_space<vmem>> -> memref<32x768xf32, #tpu.memory_space<vmem>>
    %dma_wait3A_46 = arith.constant 0 : i32
    %dma_wait3A_47 = tpu.memref_slice %arg4[%multiple_of3A_41, %dma_wait3A_46] : memref<32768x768xf32, #tpu.memory_space<hbm>> -> memref<32x768xf32, #tpu.memory_space<hbm>>
    %dma_wait3A_48 = arith.constant 0 : i32
    %dma_wait3A_49 = tpu.memref_slice %arg4[%multiple_of3A_41, %dma_wait3A_48] : memref<32768x768xf32, #tpu.memory_space<hbm>> -> memref<32x768xf32, #tpu.memory_space<hbm>>
    %dma_wait3A_50 = arith.constant 0 : i32
    %dma_wait3A_51 = arith.constant 0 : i32
    %dma_wait3A_52 = tpu.memref_slice %arg6[%dma_wait3A, %dma_wait3A_50, %dma_wait3A_51] : memref<4x32x768xf32, #tpu.memory_space<vmem>> -> memref<1x32x768xf32, #tpu.memory_space<vmem>>
    %dma_wait3A_53 = tpu.memref_squeeze %dma_wait3A_52 : memref<1x32x768xf32, #tpu.memory_space<vmem>> -> memref<32x768xf32, #tpu.memory_space<vmem>>
    tpu.wait_dma2 semaphore(%arg11 : memref<!tpu.dma_semaphore, #tpu.memory_space<semaphore_mem>>) src(%dma_wait3A_53 : memref<32x768xf32, #tpu.memory_space<vmem>>) dst(%dma_wait3A_49 : memref<32x768xf32, #tpu.memory_space<hbm>>)
    %add3A_54 = arith.constant 928 : i32
    %add3A_55 = arith.addi %mul3A_2, %add3A_54 : i32
    %multiple_of3A_56 = tpu.assume_multiple %add3A_55, 32 : i32
    %dma_wait3A_57 = arith.constant 1 : i32
    %dma_wait3A_58 = arith.constant 0 : i32
    %dma_wait3A_59 = arith.constant 0 : i32
    %dma_wait3A_60 = tpu.memref_slice %arg6[%dma_wait3A_57, %dma_wait3A_58, %dma_wait3A_59] : memref<4x32x768xf32, #tpu.memory_space<vmem>> -> memref<1x32x768xf32, #tpu.memory_space<vmem>>
    %dma_wait3A_61 = tpu.memref_squeeze %dma_wait3A_60 : memref<1x32x768xf32, #tpu.memory_space<vmem>> -> memref<32x768xf32, #tpu.memory_space<vmem>>
    %dma_wait3A_62 = arith.constant 0 : i32
    %dma_wait3A_63 = tpu.memref_slice %arg4[%multiple_of3A_56, %dma_wait3A_62] : memref<32768x768xf32, #tpu.memory_space<hbm>> -> memref<32x768xf32, #tpu.memory_space<hbm>>
    %dma_wait3A_64 = arith.constant 0 : i32
    %dma_wait3A_65 = tpu.memref_slice %arg4[%multiple_of3A_56, %dma_wait3A_64] : memref<32768x768xf32, #tpu.memory_space<hbm>> -> memref<32x768xf32, #tpu.memory_space<hbm>>
    %dma_wait3A_66 = arith.constant 0 : i32
    %dma_wait3A_67 = arith.constant 0 : i32
    %dma_wait3A_68 = tpu.memref_slice %arg6[%dma_wait3A_57, %dma_wait3A_66, %dma_wait3A_67] : memref<4x32x768xf32, #tpu.memory_space<vmem>> -> memref<1x32x768xf32, #tpu.memory_space<vmem>>
    %dma_wait3A_69 = tpu.memref_squeeze %dma_wait3A_68 : memref<1x32x768xf32, #tpu.memory_space<vmem>> -> memref<32x768xf32, #tpu.memory_space<vmem>>
    tpu.wait_dma2 semaphore(%arg12 : memref<!tpu.dma_semaphore, #tpu.memory_space<semaphore_mem>>) src(%dma_wait3A_69 : memref<32x768xf32, #tpu.memory_space<vmem>>) dst(%dma_wait3A_65 : memref<32x768xf32, #tpu.memory_space<hbm>>)
    %add3A_70 = arith.constant 960 : i32
    %add3A_71 = arith.addi %mul3A_2, %add3A_70 : i32
    %multiple_of3A_72 = tpu.assume_multiple %add3A_71, 32 : i32
    %dma_wait3A_73 = arith.constant 2 : i32
    %dma_wait3A_74 = arith.constant 0 : i32
    %dma_wait3A_75 = arith.constant 0 : i32
    %dma_wait3A_76 = tpu.memref_slice %arg6[%dma_wait3A_73, %dma_wait3A_74, %dma_wait3A_75] : memref<4x32x768xf32, #tpu.memory_space<vmem>> -> memref<1x32x768xf32, #tpu.memory_space<vmem>>
    %dma_wait3A_77 = tpu.memref_squeeze %dma_wait3A_76 : memref<1x32x768xf32, #tpu.memory_space<vmem>> -> memref<32x768xf32, #tpu.memory_space<vmem>>
    %dma_wait3A_78 = arith.constant 0 : i32
    %dma_wait3A_79 = tpu.memref_slice %arg4[%multiple_of3A_72, %dma_wait3A_78] : memref<32768x768xf32, #tpu.memory_space<hbm>> -> memref<32x768xf32, #tpu.memory_space<hbm>>
    %dma_wait3A_80 = arith.constant 0 : i32
    %dma_wait3A_81 = tpu.memref_slice %arg4[%multiple_of3A_72, %dma_wait3A_80] : memref<32768x768xf32, #tpu.memory_space<hbm>> -> memref<32x768xf32, #tpu.memory_space<hbm>>
    %dma_wait3A_82 = arith.constant 0 : i32
    %dma_wait3A_83 = arith.constant 0 : i32
    %dma_wait3A_84 = tpu.memref_slice %arg6[%dma_wait3A_73, %dma_wait3A_82, %dma_wait3A_83] : memref<4x32x768xf32, #tpu.memory_space<vmem>> -> memref<1x32x768xf32, #tpu.memory_space<vmem>>
    %dma_wait3A_85 = tpu.memref_squeeze %dma_wait3A_84 : memref<1x32x768xf32, #tpu.memory_space<vmem>> -> memref<32x768xf32, #tpu.memory_space<vmem>>
    tpu.wait_dma2 semaphore(%arg13 : memref<!tpu.dma_semaphore, #tpu.memory_space<semaphore_mem>>) src(%dma_wait3A_85 : memref<32x768xf32, #tpu.memory_space<vmem>>) dst(%dma_wait3A_81 : memref<32x768xf32, #tpu.memory_space<hbm>>)
    %add3A_86 = arith.constant 992 : i32
    %add3A_87 = arith.addi %mul3A_2, %add3A_86 : i32
    %multiple_of3A_88 = tpu.assume_multiple %add3A_87, 32 : i32
    %dma_wait3A_89 = arith.constant 3 : i32
    %dma_wait3A_90 = arith.constant 0 : i32
    %dma_wait3A_91 = arith.constant 0 : i32
    %dma_wait3A_92 = tpu.memref_slice %arg6[%dma_wait3A_89, %dma_wait3A_90, %dma_wait3A_91] : memref<4x32x768xf32, #tpu.memory_space<vmem>> -> memref<1x32x768xf32, #tpu.memory_space<vmem>>
    %dma_wait3A_93 = tpu.memref_squeeze %dma_wait3A_92 : memref<1x32x768xf32, #tpu.memory_space<vmem>> -> memref<32x768xf32, #tpu.memory_space<vmem>>
    %dma_wait3A_94 = arith.constant 0 : i32
    %dma_wait3A_95 = tpu.memref_slice %arg4[%multiple_of3A_88, %dma_wait3A_94] : memref<32768x768xf32, #tpu.memory_space<hbm>> -> memref<32x768xf32, #tpu.memory_space<hbm>>
    %dma_wait3A_96 = arith.constant 0 : i32
    %dma_wait3A_97 = tpu.memref_slice %arg4[%multiple_of3A_88, %dma_wait3A_96] : memref<32768x768xf32, #tpu.memory_space<hbm>> -> memref<32x768xf32, #tpu.memory_space<hbm>>
    %dma_wait3A_98 = arith.constant 0 : i32
    %dma_wait3A_99 = arith.constant 0 : i32
    %dma_wait3A_100 = tpu.memref_slice %arg6[%dma_wait3A_89, %dma_wait3A_98, %dma_wait3A_99] : memref<4x32x768xf32, #tpu.memory_space<vmem>> -> memref<1x32x768xf32, #tpu.memory_space<vmem>>
    %dma_wait3A_101 = tpu.memref_squeeze %dma_wait3A_100 : memref<1x32x768xf32, #tpu.memory_space<vmem>> -> memref<32x768xf32, #tpu.memory_space<vmem>>
    tpu.wait_dma2 semaphore(%arg14 : memref<!tpu.dma_semaphore, #tpu.memory_space<semaphore_mem>>) src(%dma_wait3A_101 : memref<32x768xf32, #tpu.memory_space<vmem>>) dst(%dma_wait3A_97 : memref<32x768xf32, #tpu.memory_space<hbm>>)
    return
  }
}

module attributes {stable_mosaic.version = 14 : i64} {
  func.func @_ln_body(%arg0: i32, %arg1: memref<2048x768xf32, #tpu.memory_space<vmem>>, %arg2: memref<1x768xf32, #tpu.memory_space<vmem>>, %arg3: memref<2048x768xf32, #tpu.memory_space<vmem>>) attributes {dimension_semantics = [#tpu.dimension_semantics<arbitrary>], iteration_bounds = array<i64: 16>, scalar_prefetch = 0 : i64, scratch_operands = 0 : i64, tpu.core_type = #tpu.core_type<tc>, window_params = [{transform_indices = @transform_0, window_bounds = array<i64: 2048, 768>}, {pipeline_mode = #tpu.pipeline_mode<synchronous>, transform_indices = @transform_1, window_bounds = array<i64: 1, 768>}, {transform_indices = @transform_2, window_bounds = array<i64: 2048, 768>}]} {
    %get3A = arith.constant 0 : index
    %get3A_0 = arith.constant 0 : index
    %get3A_1 = vector.load %arg1[%get3A, %get3A_0] : memref<2048x768xf32, #tpu.memory_space<vmem>>, vector<2048x768xf32>
    %reduce_sum3A = arith.constant dense<0.000000e+00> : vector<2048xf32>
    %reduce_sum3A_2 = vector.multi_reduction <add>, %get3A_1, %reduce_sum3A [1] : vector<2048x768xf32> to vector<2048xf32>
    %broadcast_in_dim3A = vector.shape_cast %reduce_sum3A_2 : vector<2048xf32> to vector<2048x1xf32>
    %div3A = arith.constant 7.680000e+02 : f32
    %div3A_3 = vector.broadcast %div3A : f32 to vector<2048x1xf32>
    %div3A_4 = arith.divf %broadcast_in_dim3A, %div3A_3 : vector<2048x1xf32>
    %sub3A = vector.broadcast %div3A_4 : vector<2048x1xf32> to vector<2048x768xf32>
    %sub3A_5 = arith.subf %get3A_1, %sub3A : vector<2048x768xf32>
    %mul3A = arith.mulf %sub3A_5, %sub3A_5 : vector<2048x768xf32>
    %reduce_sum3A_6 = arith.constant dense<0.000000e+00> : vector<2048xf32>
    %reduce_sum3A_7 = vector.multi_reduction <add>, %mul3A, %reduce_sum3A_6 [1] : vector<2048x768xf32> to vector<2048xf32>
    %broadcast_in_dim3A_8 = vector.shape_cast %reduce_sum3A_7 : vector<2048xf32> to vector<2048x1xf32>
    %div3A_9 = arith.constant 7.680000e+02 : f32
    %div3A_10 = vector.broadcast %div3A_9 : f32 to vector<2048x1xf32>
    %div3A_11 = arith.divf %broadcast_in_dim3A_8, %div3A_10 : vector<2048x1xf32>
    %add3A = arith.constant 9.99999974E-6 : f32
    %add3A_12 = vector.broadcast %add3A : f32 to vector<2048x1xf32>
    %add3A_13 = arith.addf %div3A_11, %add3A_12 : vector<2048x1xf32>
    %rsqrt3A = math.rsqrt %add3A_13 : vector<2048x1xf32>
    %mul3A_14 = vector.broadcast %rsqrt3A : vector<2048x1xf32> to vector<2048x768xf32>
    %mul3A_15 = arith.mulf %sub3A_5, %mul3A_14 : vector<2048x768xf32>
    %get3A_16 = arith.constant 0 : index
    %get3A_17 = arith.constant 0 : index
    %get3A_18 = vector.load %arg2[%get3A_16, %get3A_17] : memref<1x768xf32, #tpu.memory_space<vmem>>, vector<1x768xf32>
    %mul3A_19 = vector.broadcast %get3A_18 : vector<1x768xf32> to vector<2048x768xf32>
    %mul3A_20 = arith.mulf %mul3A_15, %mul3A_19 : vector<2048x768xf32>
    %swap3A = arith.constant 0 : index
    %swap3A_21 = arith.constant 0 : index
    %swap3A_22 = vector.load %arg3[%swap3A, %swap3A_21] : memref<2048x768xf32, #tpu.memory_space<vmem>>, vector<2048x768xf32>
    tpu.vector_store %arg3[%swap3A, %swap3A_21], %mul3A_20 {strides = array<i32>} : memref<2048x768xf32, #tpu.memory_space<vmem>>, vector<2048x768xf32>,
    return
  }
  func.func @transform_0(%arg0: i32) -> (i32, i32) {
    %c0_i32 = arith.constant 0 : i32
    %c0_i32_0 = arith.constant 0 : i32
    return %arg0, %c0_i32 : i32, i32
  }
  func.func @transform_1(%arg0: i32) -> (i32, i32) {
    %c0_i32 = arith.constant 0 : i32
    %c0_i32_0 = arith.constant 0 : i32
    %c0_i32_1 = arith.constant 0 : i32
    return %c0_i32, %c0_i32_0 : i32, i32
  }
  func.func @transform_2(%arg0: i32) -> (i32, i32) {
    %c0_i32 = arith.constant 0 : i32
    %c0_i32_0 = arith.constant 0 : i32
    return %arg0, %c0_i32 : i32, i32
  }
}

</mosaic_0001>

<sc_bundles>
// kernel: kernel.4.cloned.1.call-start
scs
__scs_entry_jumppad:
0x0: {  	(pc) =	sbr.rel $0x88, $3  }
0x1: {  	(tag) =	ssettag $0x0;
	lr =	simm.s32 $0x1  }
0x2: {  	[smem:$0x3F9E] =	sst lr;
	_ =	strace $0xD0000000  }
0x3: {  	_ = 	snop  }
0x4: {  	_ = 	snop  }
0x5: {  	_ = 	snop  }
0x6: {  	_ = 	snop  }
0x7: {  	_ = 	snop  }
__scs_overlays_trampoline_lowered:
0x8: {  	[smem:$0x3FAD] =	sst s0  }
0x9: {  	[smem:$0x3FAE] =	sst s1  }
0xa: {  	[smem:$0x3FAF] =	sst s2  }
0xb: {  	[smem:$0x3FB0] =	sst s3  }
0xc: {  	[smem:$0x3FB1] =	sst s4  }
0xd: {  	[smem:$0x3FB2] =	sst s5  }
0xe: {  	[smem:$0x3FB3] =	sst s6  }
0xf: {  	[smem:$0x3FB4] =	sst s7  }
0x10: {  	[smem:$0x3FB5] =	sst s8  }
0x11: {  	[smem:$0x3FB6] =	sst s9;
	s0 =	simm.s32 @!p0 $0x0  }
0x12: {  	s1 =	sld [smem:$0x3F9C];
	s0 =	simm.s32 @p0 $0x1  }
0x13: {  	[smem:$0x3FB7] =	sst s0;
	s0 =	simm.s32 @!p1 $0x0  }
0x14: {  	s2 =	sld [smem:$0x3F9B];
	s0 =	simm.s32 @p1 $0x1  }
0x15: {  	[smem:$0x3FB8] =	sst s0;
	s0 =	simm.s32 @!p2 $0x0  }
0x16: {  	s3 =	sld [smem:$0x3FDB];
	s0 =	simm.s32 @p2 $0x1  }
0x17: {  	s4 =	simm.s32 $0x1BF5;
	[smem:$0x3FBA] =	sst s0  }
0x18: {  	s0 =	sld [smem:$0x3F9D];
	_ =	swait.ge [sflag:s4], $0x0  }
0x19: {  	s7 =	sld [smem:$0x3F9E]  }
0x1a: {  	s8 =	sadd.s32 $0xFFFFE003, lr  }
0x1b: {  	s9 =	sadd.s32 $0xFFFFFEF7, lr;
	s5 =	simm.s32 $0xFFFFFFFF;
	p2 =	slt.u32 s8, $0xFFFFF086  }
0x1c: {  	p1 =	slt.u32 s9, $0xF7A;
	s5 =	simm.s32 @!p2 $0x0  }
0x1d: {  	s5 =	simm.s32 @p1 $0x1;
	p0 =	seq.s32 s7, s2  }
0x1e: {  	s7 =	smul.u32 @!p0 $0xF7A, s2;
	p2 =	seq.s32 @!p0 s5, $0x0  }
0x1f: {  	s9 =	smul.u32 $0xF7A, s1;
	s8 =	simm.s32 @!p0 $0x1BF5;
	p2 =	por !p2, p0  }
0x20: {  	[sflag:s8] =	ssyncset.s32 @!p0 $0xFFFFF086;
	s6 =	sadd.s32 @!p0 s3, s7;
	s7 =	simm.s32 @!p0 $0x108  }
0x21: {  	s3 =	sadd.s32 s3, s9;
	s6 =	sadd.s32 @!p0 $0x88, s6;
	s7 =	simm.s32 @p2 $0x1082  }
0x22: {  	[simem:s7], [sflag:s8] =	dma.local @!p0 [hbm:s6], $0xF7A  }
0x23: {  	s9 =	sor.u32 $0xD0000000, s2;
	s6 =	simm.s32 $0x108;
	_ =	swait.ge @!p0 [sflag:s8], $0x0  }
0x24: {  	s3 =	sadd.s32 $0x88, s3;
	s6 =	simm.s32 @!p1 $0x1082;
	[sflag:s4] =	ssyncset.s32 $0xFFFFF086  }
0x25: {  	[simem:s6], [sflag:s4] =	dma.local [hbm:s3], $0xF7A  }
0x26: {  	[smem:$0x3F9E] =	sst s1;
	(tag) =	ssettag s2;
	_ =	strace s9  }
0x27: {  	s1 =	sld [smem:$0x3FAE]  }
0x28: {  	s2 =	sld [smem:$0x3FAF]  }
0x29: {  	s4 =	sld [smem:$0x3FB1]  }
0x2a: {  	p0 =	seq.s32 s5, $0x0;
	s5 =	sld [smem:$0x3FB2]  }
0x2b: {  	s6 =	sld [smem:$0x3FB3]  }
0x2c: {  	s7 =	sld [smem:$0x3FB4]  }
0x2d: {  	s3 =	simm.s32 $0x108;
	s8 =	sld [smem:$0x3FB5]  }
0x2e: {  	s3 =	simm.s32 @!p0 $0x1082;
	s9 =	sld [smem:$0x3FB6]  }
0x2f: {  	lr =	sadd.s32 s0, s3;
	s0 =	sld [smem:$0x3FAD]  }
0x30: {  	s3 =	sld [smem:$0x3FB0]  }
0x31: {  	[smem:$0x3FB9] =	sst s10  }
0x32: {  	s10 =	sld [smem:$0x3FB7];
	_ =	sdelay $0x3  }
0x33: {  	p0 =	seq.s32 s10, $0x1;
	s10 =	sld [smem:$0x3FB9];
	_ =	sdelay $0x3  }
0x34: {  	[smem:$0x3FB9] =	sst s10  }
0x35: {  	s10 =	sld [smem:$0x3FB8];
	_ =	sdelay $0x3  }
0x36: {  	p1 =	seq.s32 s10, $0x1;
	s10 =	sld [smem:$0x3FB9];
	_ =	sdelay $0x3  }
0x37: {  	[smem:$0x3FB9] =	sst s10  }
0x38: {  	s10 =	sld [smem:$0x3FBA]  }
0x39: {  	_ = 	snop;
	(pc) =	sbr.ind lr, $3  }
0x3a: {  	_ = 	snop  }
0x3b: {  	_ = 	snop  }
0x3c: {  	p2 =	seq.s32 s10, $0x1;
	s10 =	sld [smem:$0x3FB9]  }
0x3d: {  	_ =	shalt  }
0x3e: {  	_ =	shalt  }
0x3f: {  	_ =	shalt  }
0x40: {  	_ =	shalt  }
0x41: {  	_ =	shalt  }
0x42: {  	_ =	shalt  }
0x43: {  	_ =	shalt  }
0x44: {  	_ =	shalt  }
0x45: {  	_ =	shalt  }
0x46: {  	_ =	shalt  }
0x47: {  	_ =	shalt  }
0x48: {  	_ =	shalt  }
0x49: {  	_ =	shalt  }
0x4a: {  	_ =	shalt  }
0x4b: {  	_ =	shalt  }
0x4c: {  	_ =	shalt  }
0x4d: {  	_ =	shalt  }
0x4e: {  	_ =	shalt  }
0x4f: {  	_ =	shalt  }
0x50: {  	_ =	shalt  }
0x51: {  	_ =	shalt  }
0x52: {  	_ =	shalt  }
0x53: {  	_ =	shalt  }
0x54: {  	_ =	shalt  }
0x55: {  	_ =	shalt  }
0x56: {  	_ =	shalt  }
0x57: {  	_ =	shalt  }
0x58: {  	_ =	shalt  }
0x59: {  	_ =	shalt  }
0x5a: {  	_ =	shalt  }
0x5b: {  	_ =	shalt  }
0x5c: {  	_ =	shalt  }
0x5d: {  	_ =	shalt  }
0x5e: {  	_ =	shalt  }
0x5f: {  	_ =	shalt  }
0x60: {  	_ =	shalt  }
0x61: {  	_ =	shalt  }
0x62: {  	_ =	shalt  }
0x63: {  	_ =	shalt  }
0x64: {  	_ =	shalt  }
0x65: {  	_ =	shalt  }
0x66: {  	_ =	shalt  }
0x67: {  	_ =	shalt  }
0x68: {  	_ =	shalt  }
0x69: {  	_ =	shalt  }
0x6a: {  	_ =	shalt  }
0x6b: {  	_ =	shalt  }
0x6c: {  	_ =	shalt  }
0x6d: {  	_ =	shalt  }
0x6e: {  	_ =	shalt  }
0x6f: {  	_ =	shalt  }
0x70: {  	_ =	shalt  }
0x71: {  	_ =	shalt  }
0x72: {  	_ =	shalt  }
0x73: {  	_ =	shalt  }
0x74: {  	_ =	shalt  }
0x75: {  	_ =	shalt  }
0x76: {  	_ =	shalt  }
0x77: {  	_ =	shalt  }
0x78: {  	_ =	shalt  }
0x79: {  	_ =	shalt  }
0x7a: {  	_ =	shalt  }
0x7b: {  	_ =	shalt  }
0x7c: {  	_ =	shalt  }
0x7d: {  	_ =	shalt  }
0x7e: {  	_ =	shalt  }
0x7f: {  	_ =	shalt  }
0x80: {  	_ =	shalt  }
0x81: {  	_ =	shalt  }
0x82: {  	_ =	shalt  }
0x83: {  	_ =	shalt  }
0x84: {  	_ =	shalt  }
0x85: {  	_ =	shalt  }
0x86: {  	_ =	shalt  }
0x87: {  	_ =	shalt  }
.Lfunc_end0:
.L_simem_size_0:
called_computation_lowered:
.L_overlay_start_0:
0x88: {  	s2 =	sld [smem:$0x3FD9]  }
0x89: {  	s3 =	sld [smem:$0x3FFE];
	_ =	sdelay $0x1  }
0x8a: {  	s1 =	srdreg.scid  }
0x8b: {  	s0 =	sand.u32 $0x1, s1  }
0x8c: {  	s17 =	sshll.u32 s0, $0xA;
	s2 =	sadd.s32 s3, s2  }
0x8d: {  	s2 =	sadd.s32 s2, s17  }
0x8e: {  	[smem:$0x3FC5] =	sst s2  }
0x8f: {  	_ = 	snop  }
0x90: {  	s2 =	sld [smem:$0x3FC8]  }
0x91: {  	s18 =	sld [smem:$0x3FD0];
	(tm) =	ssettm $0x1  }
0x92: {  	s4 =	sld [smem:$0x3FFB];
	_ =	sdelay $0x3  }
0x93: {  	_ =	strace s4  }
0x94: {  	s4 =	sld [smem:$0x3FFC];
	_ =	sdelay $0x3  }
0x95: {  	_ =	strace s4  }
0x96: {  	s4 =	sld [smem:$0x3FFD];
	_ =	sdelay $0x3  }
0x97: {  	_ =	strace s4  }
0x98: {  	_ =	strace $0x8FFFFFFF  }
0x99: {  	s19 =	sld [smem:$0x3FDB];
	_ =	sdelay $0x1  }
0x9a: {  	s5 =	simm.s32 $_scs_section_size  }
0x9b: {  	s6 =	simm.s32 $_size__tile_overlayer_lowered;
	s7 =	simm.s32 $_tile_overlayer_lowered  }
0x9c: {  	s22 =	simm.s32 $0x1BFF;
	s21 =	sshll.u32 s7, $0x1;
	s4 =	sadd.s32 s5, s19  }
0x9d: {  	s8 =	simm.s32 $0x0;
	s20 =	sshll.u32 s6, $0x1;
	s6 =	sadd.s32 s21, s4  }
0x9e: {  	[timem:s8], [sflag:s22] =	dma.local [hbm:s6], s20  }
0x9f: {  	_ =	swait.ge [sflag:s22], s20  }
0xa0: {  	s5 =	ssub.s32 $0x0, s20;
	[sflag:s22] =	ssyncset.done $0x0  }
0xa1: {  	[sflag:s22] =	ssyncadd.s32 s5;
	_ =	sdelay $0x1  }
0xa2: {  	s23 =	simm.s32 $0x1B8B  }
0xa3: {  	_ =	swait.ge [sflag:s23], $0x1  }
0xa4: {  	[sflag:s23] =	ssyncset.done $0x0  }
0xa5: {  	s25 =	simm.s32 $0x1B8E;
	s24 =	sld [smem:$0x3FFE];
	[sflag:s23] =	ssyncadd.s32 $0xFFFFFFFF  }
0xa6: {  	s26 =	simm.s32 $execute0_lowered;
	[smem:$0x3FD2] =	sst s25  }
0xa7: {  	s6 =	sshll.u32 s26, $0x1;
	_ =	strace $0x80000046;
	[dreg:$0x1] =	wrdreg $0xFFFFFFFF  }
0xa8: {  	s28 =	simm.s32 $_size_execute0_lowered;
	s4 =	sadd.s32 s4, s6;
	[dreg:$0x0] =	wrdreg $0x0  }
0xa9: {  	s6 =	sshll.u32 s28, $0x1;
	[dreg:$0x2] =	wrdreg s4  }
0xaa: {  	[dreg:$0x3] =	wrdreg s6  }
0xab: {  	[dreg:$0x4] =	wrdreg $0xC0  }
0xac: {  	_ =	task [dreg:s8], $0x5FFFF  }
0xad: {  	[dreg:$0x1] =	wrdreg $0xFFFFFFFF  }
0xae: {  	[dreg:$0x0] =	wrdreg $0x60  }
0xaf: {  	[dreg:$0x2] =	wrdreg s18  }
0xb0: {  	[dreg:$0x3] =	wrdreg s2  }
0xb1: {  	[dreg:$0x4] =	wrdreg s24  }
0xb2: {  	[dreg:$0x5] =	wrdreg $0x9  }
0xb3: {  	_ =	task.clear_ibuf [dreg:s8], $0x6FFFF;
	_ =	strace $0x90000046  }
0xb4: {  	s29 =	simm.s32 $0x9;
	_ =	strace $0x80000048  }
0xb5: {  	_ =	swait.ge [sflag:s29], $0x1  }
0xb6: {  	[sflag:s29] =	ssyncadd.s32 $0xFFFFFFFF  }
0xb7: {  	_ =	strace $0x90000048  }
0xb8: {  	_ =	sfence  }
0xb9: {  	s30 =	sld [smem:$0x0];
	_ =	sdelay $0x2  }
0xba: {  	s31 =	sshll.u32 s1, $0xD;
	s1 =	sshrl.u32 s1, $0x2  }
0xbb: {  	s3 =	sand.u32 $0x4000, s31;
	s1 =	sadd.s32 s1, s30  }
0xbc: {  	s0 =	sor.u32 s3, s0;
	s1 =	sshll.u32 s1, $0x11  }
0xbd: {  	s0 =	sor.u32 s1, s0  }
0xbe: {  	s0 =	sadd.s32 $0x8F2B, s0  }
0xbf: {  	[sflag:s0] =	ssyncadd.remote.s32 $0x1  }
0xc0: {  	_ =	sfence.sel $0xFFFF  }
0xc1: {  	[dreg:$0x0] =	wrdreg $0xFFFFFFFF;
	(pc) =	sbr.abs _section_cstart, $3  }
0xc2: {  	[dreg:$0x1] =	wrdreg $0xFFFFFFFF  }
0xc3: {  	_ =	task.clear_ibuf [dreg:s8], $0x2FFFF;
	_ =	strace $0x9FFFFFFF  }
0xc4: {  	(tm) =	ssettm $0x7FFFFFFF  }
0xc5: {  	_ =	shalt  }
tec
execute0_lowered:
.L_overlay_start_1:
0x0: {  	(tag) =	ssettag $0x1  }
0x1: {  	s0 =	rddreg [dreg:$0x0]  }
0x2: {  	s2 =	rddreg [dreg:$0x1]  }
0x3: {  	s1 =	rddreg [dreg:$0x2];
	s3 =	srdreg.scid  }
0x4: {  	s5 =	stileid.u32;
	s11 =	simm.s32 $0x400;
	s23 =	simm.s32 $0x6400  }
0x5: {  	s10 =	simm.s32 $0xC400;
	s24 =	simm.s32 $0x1;
	s25 =	simm.s32 $0x12400  }
0x6: {  	s28 =	simm.s32 $0x13400;
	s29 =	simm.s32 $0x13C00;
	s30 =	simm.s32 $0x14400  }
0x7: {  	s31 =	simm.s32 $0x14C00;
	s12 =	simm.s32 $0x17400;
	s13 =	simm.s32 $0x17C00  }
0x8: {  	s14 =	simm.s32 $0x2;
	s15 =	simm.s32 $0x3;
	s16 =	simm.s32 $0x4  }
0x9: {  	s17 =	simm.s32 $0x5;
	s18 =	simm.s32 $0x6;
	s19 =	simm.s32 $0x7  }
0xa: {  	s22 =	simm.s32 $0x0;
	s4 =	sand.u32 $0x1, s3;
	s3 =	simm.s32 $0x0  }
0xb: {  	s5 =	sshll.u32 s5, $0xB;
	s1 =	sadd.s32 $0x600, s1;
	s6 =	sshll.u32 s4, $0xA  }
0xc: {  	[smem:$0x7FF] =	sst s3;
	s4 =	ssub.s32 $0x2, s4;
	s5 =	sor.u32 s6, s5  }
0xd: {  	_ =	strace $0x80000047;
	s7 =	sshrl.u32 s4, $0x1;
	s6 =	sor.u32 $0x60, s5  }
0xe: {  	s5 =	sshrl.u32 s5, $0x3;
	s4 =	ssub.s32 s4, s7;
	s7 =	simm.s32 $0x16C00  }
.Ltmp0:
0xf: {  	s6 =	sshrl.u32 s6, $0x3;
	s0 =	sadd.s32 s0, s5;
	(pc) =	sbr.rel .LBB2_1-.Ltmp0, $4  }
0x10: {  	s26 =	smul.u32 $0x300, s5;
	s5 =	sadd.s32 $0x100, s2;
	s4 =	smax.u32 s4, $0x1  }
0x11: {  	v2 =	vlaneseq.u32;
	s8 =	smul.u32 $0x300, s6;
	[dreg:$0x4] =	wrdreg s0;
	s6 =	sadd.s32 $0x200, s2  }
0x12: {  	vm0 =	vmmov $0xffff;
	v1 =	vshrl.u32 v2, $0x3;
	[dreg:$0x5] =	wrdreg s4;
	s0 =	simm.s32 $0x15400;
	s4 =	simm.s32 $0x16400  }
0x13: {  	v0 =	vand.u32 $0x7, v2;
	v2 =	vor.u32 $0x8, v2;
	v1 =	vmul.u32 $0x8, v1;
	s9 =	sadd.s32 s26, s1;
	s8 =	sadd.s32 s8, s1;
	s1 =	simm.s32 $0x15C00  }
.LBB2_7:
0x14: {  	_ =	swait.ge [sflag:s17], $0x6000  }
0x15: {  	[sflag:s17] =	ssyncset.done $0x0  }
0x16: {  	[sflag:s17] =	ssyncadd.s32 $0xFFFFA000  }
0x17: {  	_ =	swait.ge [sflag:s18], $0x6000  }
0x18: {  	[sflag:s18] =	ssyncset.done $0x0  }
0x19: {  	[sflag:s18] =	ssyncadd.s32 $0xFFFFA000  }
0x1a: {  	_ =	swait.ge [sflag:s19], $0x6000  }
0x1b: {  	[sflag:s19] =	ssyncset.done $0x0  }
0x1c: {  	s21 =	simm.s32 $0x8;
	[sflag:s19] =	ssyncadd.s32 $0xFFFFA000  }
0x1d: {  	_ =	swait.ge [sflag:s21], $0x6000  }
0x1e: {  	s22 =	rddreg [dreg:$0x6]  }
0x1f: {  	s20 =	rddreg [dreg:$0x5];
	s22 =	sadd.s32 $0x1, s22  }
0x20: {  	p0 =	sne.s32 s22, s20  }
.Ltmp1:
0x21: {  	_ = 	snop;
	(pc) =	sbr.rel @!p0 .LBB2_8-.Ltmp1, $3  }
0x22: {  	_ =	sdelay $0x1  }
0x23: {  	[sflag:s21] =	ssyncset.done $0x0  }
0x24: {  	[sflag:s21] =	ssyncadd.s32 $0xFFFFA000  }
.LBB2_1:
0x25: {  	[dreg:$0x6] =	wrdreg s22  }
0x26: {  	s20 =	rddreg [dreg:$0x4];
	s26 =	simm.s32 $0x9  }
0x27: {  	[tilespmem:s3], [sflag:$0x9] =	stream.linear.gather [hbm4b:s20+s3], $0x400, $0x38;
	[tilespmem:$0x18400] =	vst v63  }
0x28: {  	_ =	swait.ge [sflag:s26], $0x400  }
0x29: {  	[sflag:s26] =	ssyncset.done $0x0  }
0x2a: {  	[sflag:s26] =	ssyncadd.s32 $0xFFFFFC00  }
0x2b: {  	v3 =	vld [tilespmem:$0x0];
	_ =	sdelay $0x4  }
0x2c: {  	v4 =	vshrl.u32 v3, $0x3  }
0x2d: {  	v4 =	vmul.u32 $0x30, v4  }
0x2e: {  	v3 =	vand.u32 $0x7, v3  }
0x2f: {  	v3 =	vor.u32 v3, v4  }
0x30: {  	v4 =	vperm.xlane v3, v0;
	_ =	sdelay $0x1  }
0x31: {  	v4 =	vadd.s32 v1, v4;
	_ =	sdelay $0x3  }
0x32: {  	v3 =	vperm.xlane v3, v2  }
0x33: {  	[tilespmem:s11], [sflag:$0x1] =	stream.indirect_vreg.gather [hbm4b:s2+s3], $0x80, v4, vm0, $0xb8;
	[tilespmem:$0x18400] =	vst v63  }
0x34: {  	s21 =	simm.s32 $0xC00;
	v3 =	vadd.s32 v1, v3  }
0x35: {  	[tilespmem:s21], [sflag:$0x1] =	stream.indirect_vreg.gather [hbm4b:s5+s3], $0x80, v4, vm0, $0xb8;
	[tilespmem:$0x18400] =	vst v63  }
0x36: {  	s22 =	simm.s32 $0x1400  }
0x37: {  	[tilespmem:s22], [sflag:$0x1] =	stream.indirect_vreg.gather [hbm4b:s6+s3], $0x80, v4, vm0, $0xb8;
	[tilespmem:$0x18400] =	vst v63  }
0x38: {  	s26 =	simm.s32 $0x1C00  }
0x39: {  	[tilespmem:s26], [sflag:$0x1] =	stream.indirect_vreg.gather [hbm4b:s2+s3], $0x80, v3, vm0, $0xb8;
	[tilespmem:$0x18400] =	vst v63  }
0x3a: {  	s21 =	simm.s32 $0x2400  }
0x3b: {  	[tilespmem:s21], [sflag:$0x1] =	stream.indirect_vreg.gather [hbm4b:s5+s3], $0x80, v3, vm0, $0xb8;
	[tilespmem:$0x18400] =	vst v63  }
0x3c: {  	s22 =	simm.s32 $0x2C00  }
0x3d: {  	[tilespmem:s22], [sflag:$0x1] =	stream.indirect_vreg.gather [hbm4b:s6+s3], $0x80, v3, vm0, $0xb8;
	[tilespmem:$0x18400] =	vst v63  }
0x3e: {  	v3 =	vld [tilespmem:$0x10];
	_ =	sdelay $0x4  }
0x3f: {  	v59 =	vshrl.u32 v3, $0x3  }
0x40: {  	v4 =	vmul.u32 $0x30, v59  }
0x41: {  	v3 =	vand.u32 $0x7, v3  }
0x42: {  	v3 =	vor.u32 v3, v4  }
0x43: {  	v4 =	vperm.xlane v3, v0;
	_ =	sdelay $0x1  }
0x44: {  	v4 =	vadd.s32 v1, v4;
	_ =	sdelay $0x3  }
0x45: {  	s26 =	simm.s32 $0x3400;
	v3 =	vperm.xlane v3, v2  }
0x46: {  	[tilespmem:s26], [sflag:$0x1] =	stream.indirect_vreg.gather [hbm4b:s2+s3], $0x80, v4, vm0, $0xb8;
	[tilespmem:$0x18400] =	vst v63  }
0x47: {  	s21 =	simm.s32 $0x3C00;
	v3 =	vadd.s32 v1, v3  }
0x48: {  	[tilespmem:s21], [sflag:$0x1] =	stream.indirect_vreg.gather [hbm4b:s5+s3], $0x80, v4, vm0, $0xb8;
	[tilespmem:$0x18400] =	vst v63  }
0x49: {  	s22 =	simm.s32 $0x4400  }
0x4a: {  	[tilespmem:s22], [sflag:$0x1] =	stream.indirect_vreg.gather [hbm4b:s6+s3], $0x80, v4, vm0, $0xb8;
	[tilespmem:$0x18400] =	vst v63  }
0x4b: {  	s26 =	simm.s32 $0x4C00  }
0x4c: {  	[tilespmem:s26], [sflag:$0x1] =	stream.indirect_vreg.gather [hbm4b:s2+s3], $0x80, v3, vm0, $0xb8;
	[tilespmem:$0x18400] =	vst v63  }
0x4d: {  	s21 =	simm.s32 $0x5400  }
0x4e: {  	[tilespmem:s21], [sflag:$0x1] =	stream.indirect_vreg.gather [hbm4b:s5+s3], $0x80, v3, vm0, $0xb8;
	[tilespmem:$0x18400] =	vst v63  }
0x4f: {  	s22 =	simm.s32 $0x5C00  }
0x50: {  	[tilespmem:s22], [sflag:$0x1] =	stream.indirect_vreg.gather [hbm4b:s6+s3], $0x80, v3, vm0, $0xb8;
	[tilespmem:$0x18400] =	vst v63  }
0x51: {  	v3 =	vld [tilespmem:$0x20];
	_ =	sdelay $0x4  }
0x52: {  	v60 =	vshrl.u32 v3, $0x3  }
0x53: {  	v4 =	vmul.u32 $0x30, v60  }
0x54: {  	v3 =	vand.u32 $0x7, v3  }
0x55: {  	v3 =	vor.u32 v3, v4  }
0x56: {  	v4 =	vperm.xlane v3, v0;
	_ =	sdelay $0x1  }
0x57: {  	v4 =	vadd.s32 v1, v4;
	_ =	sdelay $0x3  }
0x58: {  	v3 =	vperm.xlane v3, v2  }
0x59: {  	[tilespmem:s23], [sflag:$0x2] =	stream.indirect_vreg.gather [hbm4b:s2+s3], $0x80, v4, vm0, $0xb8;
	[tilespmem:$0x18400] =	vst v63  }
0x5a: {  	s26 =	simm.s32 $0x6C00;
	v3 =	vadd.s32 v1, v3  }
0x5b: {  	[tilespmem:s26], [sflag:$0x2] =	stream.indirect_vreg.gather [hbm4b:s5+s3], $0x80, v4, vm0, $0xb8;
	[tilespmem:$0x18400] =	vst v63  }
0x5c: {  	s21 =	simm.s32 $0x7400  }
0x5d: {  	[tilespmem:s21], [sflag:$0x2] =	stream.indirect_vreg.gather [hbm4b:s6+s3], $0x80, v4, vm0, $0xb8;
	[tilespmem:$0x18400] =	vst v63  }
0x5e: {  	s22 =	simm.s32 $0x7C00  }
0x5f: {  	[tilespmem:s22], [sflag:$0x2] =	stream.indirect_vreg.gather [hbm4b:s2+s3], $0x80, v3, vm0, $0xb8;
	[tilespmem:$0x18400] =	vst v63  }
0x60: {  	s26 =	simm.s32 $0x8400  }
0x61: {  	[tilespmem:s26], [sflag:$0x2] =	stream.indirect_vreg.gather [hbm4b:s5+s3], $0x80, v3, vm0, $0xb8;
	[tilespmem:$0x18400] =	vst v63  }
0x62: {  	s21 =	simm.s32 $0x8C00  }
0x63: {  	[tilespmem:s21], [sflag:$0x2] =	stream.indirect_vreg.gather [hbm4b:s6+s3], $0x80, v3, vm0, $0xb8;
	[tilespmem:$0x18400] =	vst v63  }
0x64: {  	v3 =	vld [tilespmem:$0x30];
	_ =	sdelay $0x4  }
0x65: {  	v61 =	vshrl.u32 v3, $0x3  }
0x66: {  	v4 =	vmul.u32 $0x30, v61  }
0x67: {  	v3 =	vand.u32 $0x7, v3  }
0x68: {  	v3 =	vor.u32 v3, v4  }
0x69: {  	v4 =	vperm.xlane v3, v0;
	_ =	sdelay $0x1  }
0x6a: {  	v4 =	vadd.s32 v1, v4;
	_ =	sdelay $0x3  }
0x6b: {  	s22 =	simm.s32 $0x9400;
	v3 =	vperm.xlane v3, v2  }
0x6c: {  	[tilespmem:s22], [sflag:$0x2] =	stream.indirect_vreg.gather [hbm4b:s2+s3], $0x80, v4, vm0, $0xb8;
	[tilespmem:$0x18400] =	vst v63  }
0x6d: {  	s26 =	simm.s32 $0x9C00;
	v3 =	vadd.s32 v1, v3  }
0x6e: {  	[tilespmem:s26], [sflag:$0x2] =	stream.indirect_vreg.gather [hbm4b:s5+s3], $0x80, v4, vm0, $0xb8;
	[tilespmem:$0x18400] =	vst v63  }
0x6f: {  	s21 =	simm.s32 $0xA400  }
0x70: {  	[tilespmem:s21], [sflag:$0x2] =	stream.indirect_vreg.gather [hbm4b:s6+s3], $0x80, v4, vm0, $0xb8;
	[tilespmem:$0x18400] =	vst v63  }
0x71: {  	s22 =	simm.s32 $0xAC00  }
0x72: {  	[tilespmem:s22], [sflag:$0x2] =	stream.indirect_vreg.gather [hbm4b:s2+s3], $0x80, v3, vm0, $0xb8;
	[tilespmem:$0x18400] =	vst v63  }
0x73: {  	s26 =	simm.s32 $0xB400  }
0x74: {  	[tilespmem:s26], [sflag:$0x2] =	stream.indirect_vreg.gather [hbm4b:s5+s3], $0x80, v3, vm0, $0xb8;
	[tilespmem:$0x18400] =	vst v63  }
0x75: {  	s21 =	simm.s32 $0xBC00  }
0x76: {  	[tilespmem:s21], [sflag:$0x2] =	stream.indirect_vreg.gather [hbm4b:s6+s3], $0x80, v3, vm0, $0xb8;
	[tilespmem:$0x18400] =	vst v63  }
0x77: {  	v3 =	vld [tilespmem:$0x40];
	_ =	sdelay $0x4  }
0x78: {  	v62 =	vshrl.u32 v3, $0x3  }
0x79: {  	v4 =	vmul.u32 $0x30, v62  }
0x7a: {  	v3 =	vand.u32 $0x7, v3  }
0x7b: {  	v3 =	vor.u32 v3, v4  }
0x7c: {  	v4 =	vperm.xlane v3, v0;
	_ =	sdelay $0x1  }
0x7d: {  	v4 =	vadd.s32 v1, v4;
	_ =	sdelay $0x3  }
0x7e: {  	v3 =	vperm.xlane v3, v2  }
0x7f: {  	[tilespmem:s10], [sflag:$0x3] =	stream.indirect_vreg.gather [hbm4b:s2+s3], $0x80, v4, vm0, $0xb8;
	[tilespmem:$0x18400] =	vst v63  }
0x80: {  	s22 =	simm.s32 $0xCC00;
	v3 =	vadd.s32 v1, v3  }
0x81: {  	[tilespmem:s22], [sflag:$0x3] =	stream.indirect_vreg.gather [hbm4b:s5+s3], $0x80, v4, vm0, $0xb8;
	[tilespmem:$0x18400] =	vst v63  }
0x82: {  	s26 =	simm.s32 $0xD400  }
0x83: {  	[tilespmem:s26], [sflag:$0x3] =	stream.indirect_vreg.gather [hbm4b:s6+s3], $0x80, v4, vm0, $0xb8;
	[tilespmem:$0x18400] =	vst v63  }
0x84: {  	s21 =	simm.s32 $0xDC00  }
0x85: {  	[tilespmem:s21], [sflag:$0x3] =	stream.indirect_vreg.gather [hbm4b:s2+s3], $0x80, v3, vm0, $0xb8;
	[tilespmem:$0x18400] =	vst v63  }
0x86: {  	s22 =	simm.s32 $0xE400  }
0x87: {  	[tilespmem:s22], [sflag:$0x3] =	stream.indirect_vreg.gather [hbm4b:s5+s3], $0x80, v3, vm0, $0xb8;
	[tilespmem:$0x18400] =	vst v63  }
0x88: {  	s26 =	simm.s32 $0xEC00  }
0x89: {  	[tilespmem:s26], [sflag:$0x3] =	stream.indirect_vreg.gather [hbm4b:s6+s3], $0x80, v3, vm0, $0xb8;
	[tilespmem:$0x18400] =	vst v63  }
0x8a: {  	v3 =	vld [tilespmem:$0x50];
	_ =	sdelay $0x4  }
0x8b: {  	v63 =	vshrl.u32 v3, $0x3  }
0x8c: {  	v4 =	vmul.u32 $0x30, v63  }
0x8d: {  	v3 =	vand.u32 $0x7, v3  }
0x8e: {  	v3 =	vor.u32 v3, v4  }
0x8f: {  	v4 =	vperm.xlane v3, v0;
	_ =	sdelay $0x1  }
0x90: {  	v4 =	vadd.s32 v1, v4;
	_ =	sdelay $0x3  }
0x91: {  	s21 =	simm.s32 $0xF400;
	v3 =	vperm.xlane v3, v2  }
0x92: {  	[tilespmem:s21], [sflag:$0x3] =	stream.indirect_vreg.gather [hbm4b:s2+s3], $0x80, v4, vm0, $0xb8;
	[tilespmem:$0x18400] =	vst v63  }
0x93: {  	s22 =	simm.s32 $0xFC00;
	v3 =	vadd.s32 v1, v3  }
0x94: {  	[tilespmem:s22], [sflag:$0x3] =	stream.indirect_vreg.gather [hbm4b:s5+s3], $0x80, v4, vm0, $0xb8;
	[tilespmem:$0x18400] =	vst v63  }
0x95: {  	s26 =	simm.s32 $0x10400  }
0x96: {  	[tilespmem:s26], [sflag:$0x3] =	stream.indirect_vreg.gather [hbm4b:s6+s3], $0x80, v4, vm0, $0xb8;
	[tilespmem:$0x18400] =	vst v63  }
0x97: {  	s21 =	simm.s32 $0x10C00  }
0x98: {  	[tilespmem:s21], [sflag:$0x3] =	stream.indirect_vreg.gather [hbm4b:s2+s3], $0x80, v3, vm0, $0xb8;
	[tilespmem:$0x18400] =	vst v63  }
0x99: {  	s22 =	simm.s32 $0x11400  }
0x9a: {  	[tilespmem:s22], [sflag:$0x3] =	stream.indirect_vreg.gather [hbm4b:s5+s3], $0x80, v3, vm0, $0xb8;
	[tilespmem:$0x18400] =	vst v63  }
0x9b: {  	s20 =	simm.s32 $0x70;
	s26 =	simm.s32 $0x11C00;
	s21 =	simm.s32 $0x0  }
0x9c: {  	[tilespmem:s26], [sflag:$0x3] =	stream.indirect_vreg.gather [hbm4b:s6+s3], $0x80, v3, vm0, $0xb8;
	[tilespmem:$0x18400] =	vst v63  }
.LBB2_2:
0x9d: {  	_ =	swait.ge [sflag:s24], $0x6000  }
0x9e: {  	p0 =	seq.s32 s21, $0x0;
	[sflag:s24] =	ssyncset.done $0x0  }
0x9f: {  	s22 =	sadd.s32 s21, s9;
	s26 =	simm.s32 @!p0 $0x8;
	[sflag:s24] =	ssyncadd.s32 $0xFFFFA000  }
0xa0: {  	[hbm4b:s22+s3] =	stream.linear.scatter [tilespmem:s11], [sflag:$0x5], $0x6000, $0x38;
	[tilespmem:$0x18400] =	vst v63  }
0xa1: {  	_ =	swait.ge @!p0 [sflag:s26], $0x6000  }
0xa2: {  	[sflag:s26] =	ssyncset.done @!p0 $0x0  }
0xa3: {  	[sflag:s26] =	ssyncadd.s32 @!p0 $0xFFFFA000  }
0xa4: {  	v3 =	vld [tilespmem:s20+$0xFFFFFFF0];
	_ =	sdelay $0x4  }
0xa5: {  	v4 =	vshrl.u32 v3, $0x3  }
0xa6: {  	v4 =	vmul.u32 $0x30, v4  }
0xa7: {  	v3 =	vand.u32 $0x7, v3  }
0xa8: {  	v3 =	vor.u32 v3, v4  }
0xa9: {  	v4 =	vperm.xlane v3, v0;
	_ =	sdelay $0x1  }
0xaa: {  	v4 =	vadd.s32 v1, v4;
	_ =	sdelay $0x3  }
0xab: {  	v3 =	vperm.xlane v3, v2  }
0xac: {  	[tilespmem:s25], [sflag:$0x4] =	stream.indirect_vreg.gather [hbm4b:s2+s3], $0x80, v4, vm0, $0xb8;
	[tilespmem:$0x18400] =	vst v63  }
0xad: {  	s26 =	simm.s32 $0x12C00;
	v3 =	vadd.s32 v1, v3  }
0xae: {  	[tilespmem:s26], [sflag:$0x4] =	stream.indirect_vreg.gather [hbm4b:s5+s3], $0x80, v4, vm0, $0xb8;
	[tilespmem:$0x18400] =	vst v63  }
0xaf: {  	_ = 	snop  }
0xb0: {  	[tilespmem:s28], [sflag:$0x4] =	stream.indirect_vreg.gather [hbm4b:s6+s3], $0x80, v4, vm0, $0xb8;
	[tilespmem:$0x18400] =	vst v63  }
0xb1: {  	_ = 	snop  }
0xb2: {  	[tilespmem:s29], [sflag:$0x4] =	stream.indirect_vreg.gather [hbm4b:s2+s3], $0x80, v3, vm0, $0xb8;
	[tilespmem:$0x18400] =	vst v63  }
0xb3: {  	_ = 	snop  }
0xb4: {  	[tilespmem:s30], [sflag:$0x4] =	stream.indirect_vreg.gather [hbm4b:s5+s3], $0x80, v3, vm0, $0xb8;
	[tilespmem:$0x18400] =	vst v63  }
0xb5: {  	_ = 	snop  }
0xb6: {  	[tilespmem:s31], [sflag:$0x4] =	stream.indirect_vreg.gather [hbm4b:s6+s3], $0x80, v3, vm0, $0xb8;
	[tilespmem:$0x18400] =	vst v63  }
0xb7: {  	v3 =	vld [tilespmem:s20+$0x0];
	_ =	sdelay $0x4  }
0xb8: {  	v63 =	vshrl.u32 v3, $0x3  }
0xb9: {  	v4 =	vmul.u32 $0x30, v63  }
0xba: {  	v3 =	vand.u32 $0x7, v3  }
0xbb: {  	v3 =	vor.u32 v3, v4  }
0xbc: {  	v4 =	vperm.xlane v3, v0;
	_ =	sdelay $0x1  }
0xbd: {  	v4 =	vadd.s32 v1, v4;
	_ =	sdelay $0x3  }
0xbe: {  	v3 =	vperm.xlane v3, v2  }
0xbf: {  	[tilespmem:s0], [sflag:$0x4] =	stream.indirect_vreg.gather [hbm4b:s2+s3], $0x80, v4, vm0, $0xb8;
	[tilespmem:$0x18400] =	vst v63  }
0xc0: {  	v3 =	vadd.s32 v1, v3  }
0xc1: {  	[tilespmem:s1], [sflag:$0x4] =	stream.indirect_vreg.gather [hbm4b:s5+s3], $0x80, v4, vm0, $0xb8;
	[tilespmem:$0x18400] =	vst v63  }
0xc2: {  	_ = 	snop  }
0xc3: {  	[tilespmem:s4], [sflag:$0x4] =	stream.indirect_vreg.gather [hbm4b:s6+s3], $0x80, v4, vm0, $0xb8;
	[tilespmem:$0x18400] =	vst v63  }
0xc4: {  	_ = 	snop  }
0xc5: {  	[tilespmem:s7], [sflag:$0x4] =	stream.indirect_vreg.gather [hbm4b:s2+s3], $0x80, v3, vm0, $0xb8;
	[tilespmem:$0x18400] =	vst v63  }
0xc6: {  	_ = 	snop  }
0xc7: {  	[tilespmem:s12], [sflag:$0x4] =	stream.indirect_vreg.gather [hbm4b:s5+s3], $0x80, v3, vm0, $0xb8;
	[tilespmem:$0x18400] =	vst v63  }
0xc8: {  	p0 =	seq.s32 s21, $0x15000  }
0xc9: {  	[tilespmem:s13], [sflag:$0x4] =	stream.indirect_vreg.gather [hbm4b:s6+s3], $0x80, v3, vm0, $0xb8;
	[tilespmem:$0x18400] =	vst v63  }
.Ltmp2:
0xca: {  	_ = 	snop;
	(pc) =	sbr.rel @!p0 .LBB2_3-.Ltmp2, $4  }
0xcb: {  	_ =	swait.ge [sflag:s14], $0x6000  }
0xcc: {  	[sflag:s14] =	ssyncset.done $0x0  }
0xcd: {  	s26 =	sadd.s32 $0xC00, s22;
	s22 =	sadd.s32 $0x1800, s22;
	[sflag:s14] =	ssyncadd.s32 $0xFFFFA000  }
0xce: {  	[hbm4b:s26+s3] =	stream.linear.scatter [tilespmem:s23], [sflag:$0x6], $0x6000, $0x38;
	[tilespmem:$0x18400] =	vst v63  }
.Ltmp3:
0xcf: {  	(pc) =	sbr.rel .LBB2_5-.Ltmp3, $4  }
0xd0: {  	_ =	swait.ge [sflag:s15], $0x6000  }
0xd1: {  	[sflag:s15] =	ssyncset.done $0x0  }
0xd2: {  	[sflag:s15] =	ssyncadd.s32 $0xFFFFA000  }
0xd3: {  	[hbm4b:s22+s3] =	stream.linear.scatter [tilespmem:s10], [sflag:$0x7], $0x6000, $0x38;
	[tilespmem:$0x18400] =	vst v63  }
.LBB2_3:
0xd4: {  	_ =	swait.ge [sflag:s17], $0x6000  }
0xd5: {  	[sflag:s17] =	ssyncset.done $0x0  }
0xd6: {  	[sflag:s17] =	ssyncadd.s32 $0xFFFFA000  }
0xd7: {  	v3 =	vld [tilespmem:s20+$0x10];
	_ =	sdelay $0x4  }
0xd8: {  	v4 =	vshrl.u32 v3, $0x3  }
0xd9: {  	v4 =	vmul.u32 $0x30, v4  }
0xda: {  	v3 =	vand.u32 $0x7, v3  }
0xdb: {  	v3 =	vor.u32 v3, v4  }
0xdc: {  	v4 =	vperm.xlane v3, v0;
	_ =	sdelay $0x1  }
0xdd: {  	v4 =	vadd.s32 v1, v4;
	_ =	sdelay $0x3  }
0xde: {  	v3 =	vperm.xlane v3, v2  }
0xdf: {  	[tilespmem:s11], [sflag:$0x1] =	stream.indirect_vreg.gather [hbm4b:s2+s3], $0x80, v4, vm0, $0xb8;
	[tilespmem:$0x18400] =	vst v63  }
0xe0: {  	s26 =	simm.s32 $0xC00;
	v3 =	vadd.s32 v1, v3  }
0xe1: {  	[tilespmem:s26], [sflag:$0x1] =	stream.indirect_vreg.gather [hbm4b:s5+s3], $0x80, v4, vm0, $0xb8;
	[tilespmem:$0x18400] =	vst v63  }
0xe2: {  	s26 =	simm.s32 $0x1400  }
0xe3: {  	[tilespmem:s26], [sflag:$0x1] =	stream.indirect_vreg.gather [hbm4b:s6+s3], $0x80, v4, vm0, $0xb8;
	[tilespmem:$0x18400] =	vst v63  }
0xe4: {  	s26 =	simm.s32 $0x1C00  }
0xe5: {  	[tilespmem:s26], [sflag:$0x1] =	stream.indirect_vreg.gather [hbm4b:s2+s3], $0x80, v3, vm0, $0xb8;
	[tilespmem:$0x18400] =	vst v63  }
0xe6: {  	s26 =	simm.s32 $0x2400  }
0xe7: {  	[tilespmem:s26], [sflag:$0x1] =	stream.indirect_vreg.gather [hbm4b:s5+s3], $0x80, v3, vm0, $0xb8;
	[tilespmem:$0x18400] =	vst v63  }
0xe8: {  	s26 =	simm.s32 $0x2C00  }
0xe9: {  	[tilespmem:s26], [sflag:$0x1] =	stream.indirect_vreg.gather [hbm4b:s6+s3], $0x80, v3, vm0, $0xb8;
	[tilespmem:$0x18400] =	vst v63  }
0xea: {  	v3 =	vld [tilespmem:s20+$0x20];
	_ =	sdelay $0x4  }
0xeb: {  	v61 =	vshrl.u32 v3, $0x3  }
0xec: {  	v4 =	vmul.u32 $0x30, v61  }
0xed: {  	v3 =	vand.u32 $0x7, v3  }
0xee: {  	v3 =	vor.u32 v3, v4  }
0xef: {  	v4 =	vperm.xlane v3, v0;
	_ =	sdelay $0x1  }
0xf0: {  	v4 =	vadd.s32 v1, v4;
	_ =	sdelay $0x3  }
0xf1: {  	s26 =	simm.s32 $0x3400;
	v3 =	vperm.xlane v3, v2  }
0xf2: {  	[tilespmem:s26], [sflag:$0x1] =	stream.indirect_vreg.gather [hbm4b:s2+s3], $0x80, v4, vm0, $0xb8;
	[tilespmem:$0x18400] =	vst v63  }
0xf3: {  	v3 =	vadd.s32 v1, v3;
	s26 =	simm.s32 $0x3C00  }
0xf4: {  	[tilespmem:s26], [sflag:$0x1] =	stream.indirect_vreg.gather [hbm4b:s5+s3], $0x80, v4, vm0, $0xb8;
	[tilespmem:$0x18400] =	vst v63  }
0xf5: {  	s26 =	simm.s32 $0x4400  }
0xf6: {  	[tilespmem:s26], [sflag:$0x1] =	stream.indirect_vreg.gather [hbm4b:s6+s3], $0x80, v4, vm0, $0xb8;
	[tilespmem:$0x18400] =	vst v63  }
0xf7: {  	s26 =	simm.s32 $0x4C00  }
0xf8: {  	[tilespmem:s26], [sflag:$0x1] =	stream.indirect_vreg.gather [hbm4b:s2+s3], $0x80, v3, vm0, $0xb8;
	[tilespmem:$0x18400] =	vst v63  }
0xf9: {  	s26 =	simm.s32 $0x5400  }
0xfa: {  	[tilespmem:s26], [sflag:$0x1] =	stream.indirect_vreg.gather [hbm4b:s5+s3], $0x80, v3, vm0, $0xb8;
	[tilespmem:$0x18400] =	vst v63  }
0xfb: {  	s26 =	simm.s32 $0x5C00  }
0xfc: {  	[tilespmem:s26], [sflag:$0x1] =	stream.indirect_vreg.gather [hbm4b:s6+s3], $0x80, v3, vm0, $0xb8;
	[tilespmem:$0x18400] =	vst v63  }
0xfd: {  	_ =	swait.ge [sflag:s15], $0x6000  }
0xfe: {  	[sflag:s15] =	ssyncset.done $0x0  }
0xff: {  	[sflag:s15] =	ssyncadd.s32 $0xFFFFA000  }
0x100: {  	[hbm4b:s22+s3] =	stream.linear.scatter [tilespmem:s10], [sflag:$0x7], $0x6000, $0x38;
	[tilespmem:$0x18400] =	vst v63  }
0x101: {  	_ =	swait.ge [sflag:s18], $0x6000  }
0x102: {  	[sflag:s18] =	ssyncset.done $0x0  }
0x103: {  	[sflag:s18] =	ssyncadd.s32 $0xFFFFA000  }
0x104: {  	v3 =	vld [tilespmem:s20+$0x30];
	_ =	sdelay $0x4  }
0x105: {  	v62 =	vshrl.u32 v3, $0x3  }
0x106: {  	v4 =	vmul.u32 $0x30, v62  }
0x107: {  	v3 =	vand.u32 $0x7, v3  }
0x108: {  	v3 =	vor.u32 v3, v4  }
0x109: {  	v4 =	vperm.xlane v3, v0;
	_ =	sdelay $0x1  }
0x10a: {  	v4 =	vadd.s32 v1, v4;
	_ =	sdelay $0x3  }
0x10b: {  	v3 =	vperm.xlane v3, v2  }
0x10c: {  	[tilespmem:s23], [sflag:$0x2] =	stream.indirect_vreg.gather [hbm4b:s2+s3], $0x80, v4, vm0, $0xb8;
	[tilespmem:$0x18400] =	vst v63  }
0x10d: {  	s26 =	simm.s32 $0x6C00;
	v3 =	vadd.s32 v1, v3  }
0x10e: {  	[tilespmem:s26], [sflag:$0x2] =	stream.indirect_vreg.gather [hbm4b:s5+s3], $0x80, v4, vm0, $0xb8;
	[tilespmem:$0x18400] =	vst v63  }
0x10f: {  	s26 =	simm.s32 $0x7400  }
0x110: {  	[tilespmem:s26], [sflag:$0x2] =	stream.indirect_vreg.gather [hbm4b:s6+s3], $0x80, v4, vm0, $0xb8;
	[tilespmem:$0x18400] =	vst v63  }
0x111: {  	s26 =	simm.s32 $0x7C00  }
0x112: {  	[tilespmem:s26], [sflag:$0x2] =	stream.indirect_vreg.gather [hbm4b:s2+s3], $0x80, v3, vm0, $0xb8;
	[tilespmem:$0x18400] =	vst v63  }
0x113: {  	s26 =	simm.s32 $0x8400  }
0x114: {  	[tilespmem:s26], [sflag:$0x2] =	stream.indirect_vreg.gather [hbm4b:s5+s3], $0x80, v3, vm0, $0xb8;
	[tilespmem:$0x18400] =	vst v63  }
0x115: {  	s26 =	simm.s32 $0x8C00  }
0x116: {  	[tilespmem:s26], [sflag:$0x2] =	stream.indirect_vreg.gather [hbm4b:s6+s3], $0x80, v3, vm0, $0xb8;
	[tilespmem:$0x18400] =	vst v63  }
0x117: {  	v3 =	vld [tilespmem:s20+$0x40];
	_ =	sdelay $0x4  }
0x118: {  	v63 =	vshrl.u32 v3, $0x3  }
0x119: {  	v4 =	vmul.u32 $0x30, v63  }
0x11a: {  	v3 =	vand.u32 $0x7, v3  }
0x11b: {  	v3 =	vor.u32 v3, v4  }
0x11c: {  	v4 =	vperm.xlane v3, v0;
	_ =	sdelay $0x1  }
0x11d: {  	v4 =	vadd.s32 v1, v4;
	_ =	sdelay $0x3  }
0x11e: {  	s26 =	simm.s32 $0x9400;
	v3 =	vperm.xlane v3, v2  }
0x11f: {  	[tilespmem:s26], [sflag:$0x2] =	stream.indirect_vreg.gather [hbm4b:s2+s3], $0x80, v4, vm0, $0xb8;
	[tilespmem:$0x18400] =	vst v63  }
0x120: {  	v3 =	vadd.s32 v1, v3;
	s26 =	simm.s32 $0x9C00  }
0x121: {  	[tilespmem:s26], [sflag:$0x2] =	stream.indirect_vreg.gather [hbm4b:s5+s3], $0x80, v4, vm0, $0xb8;
	[tilespmem:$0x18400] =	vst v63  }
0x122: {  	s26 =	simm.s32 $0xA400  }
0x123: {  	[tilespmem:s26], [sflag:$0x2] =	stream.indirect_vreg.gather [hbm4b:s6+s3], $0x80, v4, vm0, $0xb8;
	[tilespmem:$0x18400] =	vst v63  }
0x124: {  	s26 =	simm.s32 $0xAC00  }
0x125: {  	[tilespmem:s26], [sflag:$0x2] =	stream.indirect_vreg.gather [hbm4b:s2+s3], $0x80, v3, vm0, $0xb8;
	[tilespmem:$0x18400] =	vst v63  }
0x126: {  	s26 =	simm.s32 $0xB400  }
0x127: {  	[tilespmem:s26], [sflag:$0x2] =	stream.indirect_vreg.gather [hbm4b:s5+s3], $0x80, v3, vm0, $0xb8;
	[tilespmem:$0x18400] =	vst v63  }
0x128: {  	s26 =	simm.s32 $0xBC00  }
0x129: {  	[tilespmem:s26], [sflag:$0x2] =	stream.indirect_vreg.gather [hbm4b:s6+s3], $0x80, v3, vm0, $0xb8;
	[tilespmem:$0x18400] =	vst v63  }
.LBB2_5:
.Ltmp4:
0x12a: {  	(pc) =	sbr.rel @p0 .LBB2_7-.Ltmp4, $4  }
0x12b: {  	_ =	swait.ge [sflag:s16], $0x6000  }
0x12c: {  	[sflag:s16] =	ssyncset.done $0x0  }
0x12d: {  	s22 =	sadd.s32 s21, s8;
	[sflag:s16] =	ssyncadd.s32 $0xFFFFA000  }
0x12e: {  	[hbm4b:s22+s3] =	stream.linear.scatter [tilespmem:s25], [sflag:$0x8], $0x6000, $0x38;
	[tilespmem:$0x18400] =	vst v63  }
0x12f: {  	_ =	swait.ge [sflag:s19], $0x6000  }
0x130: {  	[sflag:s19] =	ssyncset.done $0x0  }
0x131: {  	[sflag:s19] =	ssyncadd.s32 $0xFFFFA000  }
0x132: {  	v3 =	vld [tilespmem:s20+$0x50];
	_ =	sdelay $0x4  }
0x133: {  	v4 =	vshrl.u32 v3, $0x3  }
0x134: {  	v4 =	vmul.u32 $0x30, v4  }
0x135: {  	v3 =	vand.u32 $0x7, v3  }
0x136: {  	v3 =	vor.u32 v3, v4  }
0x137: {  	v4 =	vperm.xlane v3, v0;
	_ =	sdelay $0x1  }
0x138: {  	v4 =	vadd.s32 v1, v4;
	_ =	sdelay $0x3  }
0x139: {  	v3 =	vperm.xlane v3, v2  }
0x13a: {  	[tilespmem:s10], [sflag:$0x3] =	stream.indirect_vreg.gather [hbm4b:s2+s3], $0x80, v4, vm0, $0xb8;
	[tilespmem:$0x18400] =	vst v63  }
0x13b: {  	s22 =	simm.s32 $0xCC00;
	v3 =	vadd.s32 v1, v3  }
0x13c: {  	[tilespmem:s22], [sflag:$0x3] =	stream.indirect_vreg.gather [hbm4b:s5+s3], $0x80, v4, vm0, $0xb8;
	[tilespmem:$0x18400] =	vst v63  }
0x13d: {  	s26 =	simm.s32 $0xD400  }
0x13e: {  	[tilespmem:s26], [sflag:$0x3] =	stream.indirect_vreg.gather [hbm4b:s6+s3], $0x80, v4, vm0, $0xb8;
	[tilespmem:$0x18400] =	vst v63  }
0x13f: {  	s26 =	simm.s32 $0xDC00  }
0x140: {  	[tilespmem:s26], [sflag:$0x3] =	stream.indirect_vreg.gather [hbm4b:s2+s3], $0x80, v3, vm0, $0xb8;
	[tilespmem:$0x18400] =	vst v63  }
0x141: {  	s26 =	simm.s32 $0xE400  }
0x142: {  	[tilespmem:s26], [sflag:$0x3] =	stream.indirect_vreg.gather [hbm4b:s5+s3], $0x80, v3, vm0, $0xb8;
	[tilespmem:$0x18400] =	vst v63  }
0x143: {  	s26 =	simm.s32 $0xEC00  }
0x144: {  	[tilespmem:s26], [sflag:$0x3] =	stream.indirect_vreg.gather [hbm4b:s6+s3], $0x80, v3, vm0, $0xb8;
	[tilespmem:$0x18400] =	vst v63  }
0x145: {  	v3 =	vld [tilespmem:s20+$0x60];
	_ =	sdelay $0x4  }
0x146: {  	v63 =	vshrl.u32 v3, $0x3  }
0x147: {  	v4 =	vmul.u32 $0x30, v63  }
0x148: {  	v3 =	vand.u32 $0x7, v3  }
0x149: {  	v3 =	vor.u32 v3, v4  }
0x14a: {  	v4 =	vperm.xlane v3, v0;
	_ =	sdelay $0x1  }
0x14b: {  	v4 =	vadd.s32 v1, v4;
	_ =	sdelay $0x3  }
0x14c: {  	s26 =	simm.s32 $0xF400;
	v3 =	vperm.xlane v3, v2  }
0x14d: {  	[tilespmem:s26], [sflag:$0x3] =	stream.indirect_vreg.gather [hbm4b:s2+s3], $0x80, v4, vm0, $0xb8;
	[tilespmem:$0x18400] =	vst v63  }
0x14e: {  	v3 =	vadd.s32 v1, v3;
	s26 =	simm.s32 $0xFC00  }
0x14f: {  	[tilespmem:s26], [sflag:$0x3] =	stream.indirect_vreg.gather [hbm4b:s5+s3], $0x80, v4, vm0, $0xb8;
	[tilespmem:$0x18400] =	vst v63  }
0x150: {  	s26 =	simm.s32 $0x10400  }
0x151: {  	[tilespmem:s26], [sflag:$0x3] =	stream.indirect_vreg.gather [hbm4b:s6+s3], $0x80, v4, vm0, $0xb8;
	[tilespmem:$0x18400] =	vst v63  }
0x152: {  	s26 =	simm.s32 $0x10C00  }
0x153: {  	[tilespmem:s26], [sflag:$0x3] =	stream.indirect_vreg.gather [hbm4b:s2+s3], $0x80, v3, vm0, $0xb8;
	[tilespmem:$0x18400] =	vst v63  }
.Ltmp5:
0x154: {  	_ = 	snop;
	(pc) =	sbr.rel .LBB2_2-.Ltmp5, $4  }
0x155: {  	s26 =	simm.s32 $0x11400  }
0x156: {  	[tilespmem:s26], [sflag:$0x3] =	stream.indirect_vreg.gather [hbm4b:s5+s3], $0x80, v3, vm0, $0xb8;
	[tilespmem:$0x18400] =	vst v63  }
0x157: {  	s21 =	sadd.s32 $0x3000, s21;
	s20 =	sadd.s32 $0x80, s20;
	s26 =	simm.s32 $0x11C00  }
0x158: {  	[tilespmem:s26], [sflag:$0x3] =	stream.indirect_vreg.gather [hbm4b:s6+s3], $0x80, v3, vm0, $0xb8;
	[tilespmem:$0x18400] =	vst v63  }
.LBB2_8:
0x159: {  	_ =	sfence.sel $0x180000  }
0x15a: {  	[bflag:$0x0] =	sbarrier.arrive $0xFFFF  }
0x15b: {  	_ =	strace $0x90000047  }
0x15c: {  	s0 =	stileid.u32;
	[bflag:$0x2] =	sbarrier.arrive $0xFFFF  }
0x15d: {  	p0 =	sne.s32 s0, $0x0;
	s0 =	rddreg [dreg:$0x3]  }
0x15e: {  	s0 =	sadd.s32 @!p0 $0x100000, s0  }
0x15f: {  	[sflag:s0] =	ssyncadd.tile.s32 @!p0 $0x1;
	_ =	shalt  }
.Lfunc_end2:
_tile_overlayer_lowered:
.L_overlay_start_2:
0x160: {  	(tag) =	ssettag $0x2  }
0x161: {  	s0 =	rddreg [dreg:$0x0];
	s2 =	stileid.u32  }
0x162: {  	s1 =	rddreg [dreg:$0x1];
	p0 =	sne.s32 s2, $0x0  }
0x163: {  	s3 =	rddreg [dreg:$0x2];
	[bflag:$0x3] =	sbarrier.arrive $0xFFFF;
	s2 =	simm.s32 @!p0 $0x1C09  }
0x164: {  	[timem:s3], [sflag:s2] =	dma.local @!p0 [hbm:s0], s1  }
0x165: {  	s0 =	simm.s32 @!p0 $0x9  }
0x166: {  	_ =	swait.ge @!p0 [sflag:s0], s1  }
0x167: {  	s1 =	ssub.s32 @!p0 $0x0, s1;
	[sflag:s0] =	ssyncset.done @!p0 $0x0  }
0x168: {  	[sflag:s0] =	ssyncadd.s32 @!p0 s1  }
0x169: {  	[bflag:$0x3] =	sbarrier.arrive $0xFFFF  }
0x16a: {  	_ =	shalt  }

</sc_bundles>
